<compile_context>
chip_gen: v7x
topology: tpu7x:2x2x1
jax: 0.10.2.dev20260603
libtpu: 0.0.44.dev20260713+nightly
codegen_flags: <defaults>
</compile_context>

<pallas_src>
import functools

import numpy as np
import jax
import jax.numpy as jnp
from jax import lax
from jax.experimental import pallas as pl
from jax.experimental.pallas import tpu as pltpu
from jax.experimental.pallas import tpu_sc as plsc

PROB = 0.25
B, T, C, D = 16, 2048, 4, 128
NC, NS = 2, 16
HALF = T // 2
ZCH = 128


@functools.lru_cache(maxsize=None)
def _drop_indices(b: int):
    cpu = jax.devices("cpu")[0]
    with jax.default_device(cpu):
        perm = np.asarray(jax.random.permutation(jax.random.key(1), b))
    n = 1 if b == 1 else int(b * PROB)
    return tuple(int(i) for i in perm[:n])


def _make_sc_kernel(drop):
    mesh = plsc.VectorSubcoreMesh(core_axis_name="c", subcore_axis_name="s")

    @functools.partial(
        pl.kernel,
        out_type=jax.ShapeDtypeStruct((B, T, C, D), jnp.float32),
        mesh=mesh,
        scratch_types=[
            pltpu.VMEM((ZCH, C, D), jnp.float32),
            pltpu.VMEM((1, C, D), jnp.float32),
            pltpu.SemaphoreType.DMA,
        ],
    )
    def _sc_dropout(emb0_hbm, out_hbm, zbuf, lbuf, sem):
        wid = lax.axis_index("s") * NC + lax.axis_index("c")
        r = wid // 2
        h = wid % 2
        t0 = h * HALF
        dropped = functools.reduce(
            jnp.logical_or, [r == di for di in drop])

        @pl.when(jnp.logical_not(dropped))
        def _copy():
            dmas = [
                pltpu.async_copy(
                    emb0_hbm.at[r, pl.ds(t0 + q * ZCH, ZCH)],
                    out_hbm.at[r, pl.ds(t0 + q * ZCH, ZCH)], sem)
                for q in range(HALF // ZCH)
            ]
            for dma in dmas:
                dma.wait()

        @pl.when(dropped)
        def _zero():
            zero16 = jnp.zeros((16,), jnp.float32)

            def body(i, carry):
                for j in range(C):
                    for k in range(D // 16):
                        zbuf[i, j, pl.ds(k * 16, 16)] = zero16
                return carry

            lax.fori_loop(0, ZCH, body, 0)
            dmas = [
                pltpu.async_copy(
                    zbuf, out_hbm.at[r, pl.ds(t0 + q * ZCH, ZCH)], sem)
                for q in range(HALF // ZCH)
            ]
            for dma in dmas:
                dma.wait()

            @pl.when(h == 1)
            def _fix_last():
                pltpu.sync_copy(emb0_hbm.at[r, pl.ds(T - 1, 1)], lbuf)
                pltpu.sync_copy(lbuf, out_hbm.at[r, pl.ds(T - 1, 1)])

    return _sc_dropout


@functools.partial(jax.jit, static_argnums=(1,))
def _run(emb0, drop):
    return _make_sc_kernel(drop)(emb0)


_drop_indices(16)


def kernel(emb0):
    return _run(emb0, _drop_indices(emb0.shape[0]))

# --- scband reference (transcript-rebuilt; emitter-appended) ---
"""Pipeline reference for scband-senor-dropout-8306466750664 (READ-ONLY COPY).

The authoritative reference and input builder live on the scoring server;
editing this copy changes nothing except your own understanding.
"""

import jax, jax.numpy as jnp
import numpy as np

PROB = 0.25

def setup_inputs(seed: int = 0) -> dict:
    key = jax.random.key(seed)
    emb0 = jax.random.normal(key, (16, 2048, 4, 128), dtype=jnp.float32)
    return {"emb0": emb0}

def reference(emb0):
    # Faithful translation of SenorDropout.forward for a single-element list input.
    # forward: pick num_samples_to_drop random batch indices (randperm), then
    # zero out embedding[indices, :t-1] via scatter-overwrite.
    b, t, c, d = emb0.shape
    num_samples_to_drop = 1 if b == 1 else int(b * PROB)
    # deterministic stand-in for torch.randperm(b)
    perm = jax.random.permutation(jax.random.key(1), b)
    indices = perm[:num_samples_to_drop]
    # embedding = _embedding.clone(); embedding[indices, :t-1] = 0
    out = emb0.at[indices, : t - 1].set(0.0)
    return out

if __name__ == "__main__":
    import jax
    _d = setup_inputs()
    print(jax.jit(kernel)(*tuple(_d.values())))

</pallas_src>

<mosaic_0001>
#map = affine_map<(d0, d1) -> (0, 0, 0, 0)>
module attributes {stable_mosaic.version = 14 : i64} {
  func.func @_sc_dropout(%arg0: i32, %arg1: i32, %arg2: memref<16x2048x4x128xf32, #tpu.memory_space<hbm>>, %arg3: memref<16x2048x4x128xf32, #tpu.memory_space<hbm>>, %arg4: memref<128x4x128xf32, #tpu.memory_space<vmem>>, %arg5: memref<1x4x128xf32, #tpu.memory_space<vmem>>, %arg6: memref<!tpu.dma_semaphore, #tpu.memory_space<semaphore_mem>>) attributes {dimension_semantics = [#tpu.dimension_semantics<core_parallel>, #tpu.dimension_semantics<subcore_parallel>], iteration_bounds = array<i64: 2, 16>, scalar_prefetch = 0 : i64, scratch_operands = 3 : i64, tpu.core_type = #tpu.core_type<sc_vector_subcore>, window_params = [{transform_indices = #map}, {transform_indices = #map}]} {
    %mul3A = arith.constant 2 : i32
    %mul3A_0 = arith.muli %arg1, %mul3A : i32
    %add3A = arith.addi %mul3A_0, %arg0 : i32
    %jit3A = arith.constant 2 : i32
    %div3A = arith.divsi %add3A, %jit3A : i32
    %sign3A = arith.constant 0 : i32
    %sign3A_1 = arith.cmpi sgt, %add3A, %sign3A : i32
    %sign3A_2 = arith.extui %sign3A_1 : i1 to i32
    %sign3A_3 = arith.constant 0 : i32
    %sign3A_4 = arith.cmpi slt, %add3A, %sign3A_3 : i32
    %sign3A_5 = arith.extui %sign3A_4 : i1 to i32
    %sign3A_6 = arith.subi %sign3A_2, %sign3A_5 : i32
    %sign3A_7 = arith.constant 0 : i32
    %sign3A_8 = arith.cmpi sgt, %jit3A, %sign3A_7 : i32
    %sign3A_9 = arith.extui %sign3A_8 : i1 to i32
    %sign3A_10 = arith.constant 0 : i32
    %sign3A_11 = arith.cmpi slt, %jit3A, %sign3A_10 : i32
    %sign3A_12 = arith.extui %sign3A_11 : i1 to i32
    %sign3A_13 = arith.subi %sign3A_9, %sign3A_12 : i32
    %ne3A = arith.cmpi ne, %sign3A_6, %sign3A_13 : i32
    %rem3A = arith.remsi %add3A, %jit3A : i32
    %ne3A_14 = arith.constant 0 : i32
    %ne3A_15 = arith.cmpi ne, %rem3A, %ne3A_14 : i32
    %and3A = arith.andi %ne3A, %ne3A_15 : i1
    %sub3A = arith.constant 1 : i32
    %sub3A_16 = arith.subi %div3A, %sub3A : i32
    %select_n3A = arith.select %and3A, %sub3A_16, %div3A : i32
    %jit3A_17 = arith.constant 2 : i32
    %eq3A = arith.constant 0 : i32
    %eq3A_18 = arith.cmpi eq, %jit3A_17, %eq3A : i32
    %jit3A_19 = arith.constant 1 : i32
    %select_n3A_20 = arith.select %eq3A_18, %jit3A_19, %jit3A_17 : i32
    %rem3A_21 = arith.remsi %add3A, %select_n3A_20 : i32
    %ne3A_22 = arith.constant 0 : i32
    %ne3A_23 = arith.cmpi ne, %rem3A_21, %ne3A_22 : i32
    %lt3A = arith.constant 0 : i32
    %lt3A_24 = arith.cmpi slt, %rem3A_21, %lt3A : i32
    %lt3A_25 = arith.constant 0 : i32
    %lt3A_26 = arith.cmpi slt, %select_n3A_20, %lt3A_25 : i32
    %ne3A_27 = arith.xori %lt3A_24, %lt3A_26 : i1
    %and3A_28 = arith.andi %ne3A_27, %ne3A_23 : i1
    %add3A_29 = arith.addi %rem3A_21, %select_n3A_20 : i32
    %select_n3A_30 = arith.select %and3A_28, %add3A_29, %rem3A_21 : i32
    %mul3A_31 = arith.constant 1024 : i32
    %mul3A_32 = arith.muli %select_n3A_30, %mul3A_31 : i32
    %eq3A_33 = arith.constant 7 : i32
    %eq3A_34 = arith.cmpi eq, %select_n3A, %eq3A_33 : i32
    %eq3A_35 = arith.constant 6 : i32
    %eq3A_36 = arith.cmpi eq, %select_n3A, %eq3A_35 : i32
    %eq3A_37 = arith.constant 3 : i32
    %eq3A_38 = arith.cmpi eq, %select_n3A, %eq3A_37 : i32
    %eq3A_39 = arith.constant 2 : i32
    %eq3A_40 = arith.cmpi eq, %select_n3A, %eq3A_39 : i32
    %or3A = arith.ori %eq3A_34, %eq3A_36 : i1
    %or3A_41 = arith.ori %or3A, %eq3A_38 : i1
    %or3A_42 = arith.ori %or3A_41, %eq3A_40 : i1
    %not3A = arith.constant true
    %not3A_43 = arith.xori %or3A_42, %not3A : i1
    %convert_element_type3A = arith.extui %not3A_43 : i1 to i32
    %cond3A = arith.constant 0 : i32
    %cond3A_44 = arith.cmpi ne, %convert_element_type3A, %cond3A : i32
    scf.if %cond3A_44 {
      %add3A_48 = arith.constant 0 : i32
      %add3A_49 = arith.addi %mul3A_32, %add3A_48 : i32
      %add3A_50 = arith.constant 0 : i32
      %add3A_51 = arith.addi %mul3A_32, %add3A_50 : i32
      %dma_start3A = arith.constant 0 : i32
      %dma_start3A_52 = arith.constant 0 : i32
      %dma_start3A_53 = tpu.memref_slice %arg3[%select_n3A, %add3A_51, %dma_start3A, %dma_start3A_52] : memref<16x2048x4x128xf32, #tpu.memory_space<hbm>> -> memref<1x128x4x128xf32, #tpu.memory_space<hbm>>
      %dma_start3A_54 = tpu.memref_squeeze %dma_start3A_53 : memref<1x128x4x128xf32, #tpu.memory_space<hbm>> -> memref<128x4x128xf32, #tpu.memory_space<hbm>>
      %dma_start3A_55 = arith.constant 0 : i32
      %dma_start3A_56 = arith.constant 0 : i32
      %dma_start3A_57 = tpu.memref_slice %arg2[%select_n3A, %add3A_49, %dma_start3A_55, %dma_start3A_56] : memref<16x2048x4x128xf32, #tpu.memory_space<hbm>> -> memref<1x128x4x128xf32, #tpu.memory_space<hbm>>
      %dma_start3A_58 = tpu.memref_squeeze %dma_start3A_57 : memref<1x128x4x128xf32, #tpu.memory_space<hbm>> -> memref<128x4x128xf32, #tpu.memory_space<hbm>>
      tpu.enqueue_dma source(%dma_start3A_58 : memref<128x4x128xf32, #tpu.memory_space<hbm>>) target(%dma_start3A_54 : memref<128x4x128xf32, #tpu.memory_space<hbm>>) target_semaphore(%arg6 : memref<!tpu.dma_semaphore, #tpu.memory_space<semaphore_mem>>)
      %add3A_59 = arith.constant 128 : i32
      %add3A_60 = arith.addi %mul3A_32, %add3A_59 : i32
      %add3A_61 = arith.constant 128 : i32
      %add3A_62 = arith.addi %mul3A_32, %add3A_61 : i32
      %dma_start3A_63 = arith.constant 0 : i32
      %dma_start3A_64 = arith.constant 0 : i32
      %dma_start3A_65 = tpu.memref_slice %arg3[%select_n3A, %add3A_62, %dma_start3A_63, %dma_start3A_64] : memref<16x2048x4x128xf32, #tpu.memory_space<hbm>> -> memref<1x128x4x128xf32, #tpu.memory_space<hbm>>
      %dma_start3A_66 = tpu.memref_squeeze %dma_start3A_65 : memref<1x128x4x128xf32, #tpu.memory_space<hbm>> -> memref<128x4x128xf32, #tpu.memory_space<hbm>>
      %dma_start3A_67 = arith.constant 0 : i32
      %dma_start3A_68 = arith.constant 0 : i32
      %dma_start3A_69 = tpu.memref_slice %arg2[%select_n3A, %add3A_60, %dma_start3A_67, %dma_start3A_68] : memref<16x2048x4x128xf32, #tpu.memory_space<hbm>> -> memref<1x128x4x128xf32, #tpu.memory_space<hbm>>
      %dma_start3A_70 = tpu.memref_squeeze %dma_start3A_69 : memref<1x128x4x128xf32, #tpu.memory_space<hbm>> -> memref<128x4x128xf32, #tpu.memory_space<hbm>>
      tpu.enqueue_dma source(%dma_start3A_70 : memref<128x4x128xf32, #tpu.memory_space<hbm>>) target(%dma_start3A_66 : memref<128x4x128xf32, #tpu.memory_space<hbm>>) target_semaphore(%arg6 : memref<!tpu.dma_semaphore, #tpu.memory_space<semaphore_mem>>)
      %add3A_71 = arith.constant 256 : i32
      %add3A_72 = arith.addi %mul3A_32, %add3A_71 : i32
      %add3A_73 = arith.constant 256 : i32
      %add3A_74 = arith.addi %mul3A_32, %add3A_73 : i32
      %dma_start3A_75 = arith.constant 0 : i32
      %dma_start3A_76 = arith.constant 0 : i32
      %dma_start3A_77 = tpu.memref_slice %arg3[%select_n3A, %add3A_74, %dma_start3A_75, %dma_start3A_76] : memref<16x2048x4x128xf32, #tpu.memory_space<hbm>> -> memref<1x128x4x128xf32, #tpu.memory_space<hbm>>
      %dma_start3A_78 = tpu.memref_squeeze %dma_start3A_77 : memref<1x128x4x128xf32, #tpu.memory_space<hbm>> -> memref<128x4x128xf32, #tpu.memory_space<hbm>>
      %dma_start3A_79 = arith.constant 0 : i32
      %dma_start3A_80 = arith.constant 0 : i32
      %dma_start3A_81 = tpu.memref_slice %arg2[%select_n3A, %add3A_72, %dma_start3A_79, %dma_start3A_80] : memref<16x2048x4x128xf32, #tpu.memory_space<hbm>> -> memref<1x128x4x128xf32, #tpu.memory_space<hbm>>
      %dma_start3A_82 = tpu.memref_squeeze %dma_start3A_81 : memref<1x128x4x128xf32, #tpu.memory_space<hbm>> -> memref<128x4x128xf32, #tpu.memory_space<hbm>>
      tpu.enqueue_dma source(%dma_start3A_82 : memref<128x4x128xf32, #tpu.memory_space<hbm>>) target(%dma_start3A_78 : memref<128x4x128xf32, #tpu.memory_space<hbm>>) target_semaphore(%arg6 : memref<!tpu.dma_semaphore, #tpu.memory_space<semaphore_mem>>)
      %add3A_83 = arith.constant 384 : i32
      %add3A_84 = arith.addi %mul3A_32, %add3A_83 : i32
      %add3A_85 = arith.constant 384 : i32
      %add3A_86 = arith.addi %mul3A_32, %add3A_85 : i32
      %dma_start3A_87 = arith.constant 0 : i32
      %dma_start3A_88 = arith.constant 0 : i32
      %dma_start3A_89 = tpu.memref_slice %arg3[%select_n3A, %add3A_86, %dma_start3A_87, %dma_start3A_88] : memref<16x2048x4x128xf32, #tpu.memory_space<hbm>> -> memref<1x128x4x128xf32, #tpu.memory_space<hbm>>
      %dma_start3A_90 = tpu.memref_squeeze %dma_start3A_89 : memref<1x128x4x128xf32, #tpu.memory_space<hbm>> -> memref<128x4x128xf32, #tpu.memory_space<hbm>>
      %dma_start3A_91 = arith.constant 0 : i32
      %dma_start3A_92 = arith.constant 0 : i32
      %dma_start3A_93 = tpu.memref_slice %arg2[%select_n3A, %add3A_84, %dma_start3A_91, %dma_start3A_92] : memref<16x2048x4x128xf32, #tpu.memory_space<hbm>> -> memref<1x128x4x128xf32, #tpu.memory_space<hbm>>
      %dma_start3A_94 = tpu.memref_squeeze %dma_start3A_93 : memref<1x128x4x128xf32, #tpu.memory_space<hbm>> -> memref<128x4x128xf32, #tpu.memory_space<hbm>>
      tpu.enqueue_dma source(%dma_start3A_94 : memref<128x4x128xf32, #tpu.memory_space<hbm>>) target(%dma_start3A_90 : memref<128x4x128xf32, #tpu.memory_space<hbm>>) target_semaphore(%arg6 : memref<!tpu.dma_semaphore, #tpu.memory_space<semaphore_mem>>)
      %add3A_95 = arith.constant 512 : i32
      %add3A_96 = arith.addi %mul3A_32, %add3A_95 : i32
      %add3A_97 = arith.constant 512 : i32
      %add3A_98 = arith.addi %mul3A_32, %add3A_97 : i32
      %dma_start3A_99 = arith.constant 0 : i32
      %dma_start3A_100 = arith.constant 0 : i32
      %dma_start3A_101 = tpu.memref_slice %arg3[%select_n3A, %add3A_98, %dma_start3A_99, %dma_start3A_100] : memref<16x2048x4x128xf32, #tpu.memory_space<hbm>> -> memref<1x128x4x128xf32, #tpu.memory_space<hbm>>
      %dma_start3A_102 = tpu.memref_squeeze %dma_start3A_101 : memref<1x128x4x128xf32, #tpu.memory_space<hbm>> -> memref<128x4x128xf32, #tpu.memory_space<hbm>>
      %dma_start3A_103 = arith.constant 0 : i32
      %dma_start3A_104 = arith.constant 0 : i32
      %dma_start3A_105 = tpu.memref_slice %arg2[%select_n3A, %add3A_96, %dma_start3A_103, %dma_start3A_104] : memref<16x2048x4x128xf32, #tpu.memory_space<hbm>> -> memref<1x128x4x128xf32, #tpu.memory_space<hbm>>
      %dma_start3A_106 = tpu.memref_squeeze %dma_start3A_105 : memref<1x128x4x128xf32, #tpu.memory_space<hbm>> -> memref<128x4x128xf32, #tpu.memory_space<hbm>>
      tpu.enqueue_dma source(%dma_start3A_106 : memref<128x4x128xf32, #tpu.memory_space<hbm>>) target(%dma_start3A_102 : memref<128x4x128xf32, #tpu.memory_space<hbm>>) target_semaphore(%arg6 : memref<!tpu.dma_semaphore, #tpu.memory_space<semaphore_mem>>)
      %add3A_107 = arith.constant 640 : i32
      %add3A_108 = arith.addi %mul3A_32, %add3A_107 : i32
      %add3A_109 = arith.constant 640 : i32
      %add3A_110 = arith.addi %mul3A_32, %add3A_109 : i32
      %dma_start3A_111 = arith.constant 0 : i32
      %dma_start3A_112 = arith.constant 0 : i32
      %dma_start3A_113 = tpu.memref_slice %arg3[%select_n3A, %add3A_110, %dma_start3A_111, %dma_start3A_112] : memref<16x2048x4x128xf32, #tpu.memory_space<hbm>> -> memref<1x128x4x128xf32, #tpu.memory_space<hbm>>
      %dma_start3A_114 = tpu.memref_squeeze %dma_start3A_113 : memref<1x128x4x128xf32, #tpu.memory_space<hbm>> -> memref<128x4x128xf32, #tpu.memory_space<hbm>>
      %dma_start3A_115 = arith.constant 0 : i32
      %dma_start3A_116 = arith.constant 0 : i32
      %dma_start3A_117 = tpu.memref_slice %arg2[%select_n3A, %add3A_108, %dma_start3A_115, %dma_start3A_116] : memref<16x2048x4x128xf32, #tpu.memory_space<hbm>> -> memref<1x128x4x128xf32, #tpu.memory_space<hbm>>
      %dma_start3A_118 = tpu.memref_squeeze %dma_start3A_117 : memref<1x128x4x128xf32, #tpu.memory_space<hbm>> -> memref<128x4x128xf32, #tpu.memory_space<hbm>>
      tpu.enqueue_dma source(%dma_start3A_118 : memref<128x4x128xf32, #tpu.memory_space<hbm>>) target(%dma_start3A_114 : memref<128x4x128xf32, #tpu.memory_space<hbm>>) target_semaphore(%arg6 : memref<!tpu.dma_semaphore, #tpu.memory_space<semaphore_mem>>)
      %add3A_119 = arith.constant 768 : i32
      %add3A_120 = arith.addi %mul3A_32, %add3A_119 : i32
      %add3A_121 = arith.constant 768 : i32
      %add3A_122 = arith.addi %mul3A_32, %add3A_121 : i32
      %dma_start3A_123 = arith.constant 0 : i32
      %dma_start3A_124 = arith.constant 0 : i32
      %dma_start3A_125 = tpu.memref_slice %arg3[%select_n3A, %add3A_122, %dma_start3A_123, %dma_start3A_124] : memref<16x2048x4x128xf32, #tpu.memory_space<hbm>> -> memref<1x128x4x128xf32, #tpu.memory_space<hbm>>
      %dma_start3A_126 = tpu.memref_squeeze %dma_start3A_125 : memref<1x128x4x128xf32, #tpu.memory_space<hbm>> -> memref<128x4x128xf32, #tpu.memory_space<hbm>>
      %dma_start3A_127 = arith.constant 0 : i32
      %dma_start3A_128 = arith.constant 0 : i32
      %dma_start3A_129 = tpu.memref_slice %arg2[%select_n3A, %add3A_120, %dma_start3A_127, %dma_start3A_128] : memref<16x2048x4x128xf32, #tpu.memory_space<hbm>> -> memref<1x128x4x128xf32, #tpu.memory_space<hbm>>
      %dma_start3A_130 = tpu.memref_squeeze %dma_start3A_129 : memref<1x128x4x128xf32, #tpu.memory_space<hbm>> -> memref<128x4x128xf32, #tpu.memory_space<hbm>>
      tpu.enqueue_dma source(%dma_start3A_130 : memref<128x4x128xf32, #tpu.memory_space<hbm>>) target(%dma_start3A_126 : memref<128x4x128xf32, #tpu.memory_space<hbm>>) target_semaphore(%arg6 : memref<!tpu.dma_semaphore, #tpu.memory_space<semaphore_mem>>)
      %add3A_131 = arith.constant 896 : i32
      %add3A_132 = arith.addi %mul3A_32, %add3A_131 : i32
      %add3A_133 = arith.constant 896 : i32
      %add3A_134 = arith.addi %mul3A_32, %add3A_133 : i32
      %dma_start3A_135 = arith.constant 0 : i32
      %dma_start3A_136 = arith.constant 0 : i32
      %dma_start3A_137 = tpu.memref_slice %arg3[%select_n3A, %add3A_134, %dma_start3A_135, %dma_start3A_136] : memref<16x2048x4x128xf32, #tpu.memory_space<hbm>> -> memref<1x128x4x128xf32, #tpu.memory_space<hbm>>
      %dma_start3A_138 = tpu.memref_squeeze %dma_start3A_137 : memref<1x128x4x128xf32, #tpu.memory_space<hbm>> -> memref<128x4x128xf32, #tpu.memory_space<hbm>>
      %dma_start3A_139 = arith.constant 0 : i32
      %dma_start3A_140 = arith.constant 0 : i32
      %dma_start3A_141 = tpu.memref_slice %arg2[%select_n3A, %add3A_132, %dma_start3A_139, %dma_start3A_140] : memref<16x2048x4x128xf32, #tpu.memory_space<hbm>> -> memref<1x128x4x128xf32, #tpu.memory_space<hbm>>
      %dma_start3A_142 = tpu.memref_squeeze %dma_start3A_141 : memref<1x128x4x128xf32, #tpu.memory_space<hbm>> -> memref<128x4x128xf32, #tpu.memory_space<hbm>>
      tpu.enqueue_dma source(%dma_start3A_142 : memref<128x4x128xf32, #tpu.memory_space<hbm>>) target(%dma_start3A_138 : memref<128x4x128xf32, #tpu.memory_space<hbm>>) target_semaphore(%arg6 : memref<!tpu.dma_semaphore, #tpu.memory_space<semaphore_mem>>)
      %dma_wait3A = arith.constant 0 : i32
      %dma_wait3A_143 = arith.constant 0 : i32
      %dma_wait3A_144 = tpu.memref_slice %arg3[%select_n3A, %add3A_51, %dma_wait3A, %dma_wait3A_143] : memref<16x2048x4x128xf32, #tpu.memory_space<hbm>> -> memref<1x128x4x128xf32, #tpu.memory_space<hbm>>
      %dma_wait3A_145 = tpu.memref_squeeze %dma_wait3A_144 : memref<1x128x4x128xf32, #tpu.memory_space<hbm>> -> memref<128x4x128xf32, #tpu.memory_space<hbm>>
      %dma_wait3A_146 = arith.constant 0 : i32
      %dma_wait3A_147 = arith.constant 0 : i32
      %dma_wait3A_148 = tpu.memref_slice %arg2[%select_n3A, %add3A_49, %dma_wait3A_146, %dma_wait3A_147] : memref<16x2048x4x128xf32, #tpu.memory_space<hbm>> -> memref<1x128x4x128xf32, #tpu.memory_space<hbm>>
      %dma_wait3A_149 = tpu.memref_squeeze %dma_wait3A_148 : memref<1x128x4x128xf32, #tpu.memory_space<hbm>> -> memref<128x4x128xf32, #tpu.memory_space<hbm>>
      tpu.wait_dma2 semaphore(%arg6 : memref<!tpu.dma_semaphore, #tpu.memory_space<semaphore_mem>>) src(%dma_wait3A_149 : memref<128x4x128xf32, #tpu.memory_space<hbm>>) dst(%dma_wait3A_145 : memref<128x4x128xf32, #tpu.memory_space<hbm>>)
      %dma_wait3A_150 = arith.constant 0 : i32
      %dma_wait3A_151 = arith.constant 0 : i32
      %dma_wait3A_152 = tpu.memref_slice %arg3[%select_n3A, %add3A_62, %dma_wait3A_150, %dma_wait3A_151] : memref<16x2048x4x128xf32, #tpu.memory_space<hbm>> -> memref<1x128x4x128xf32, #tpu.memory_space<hbm>>
      %dma_wait3A_153 = tpu.memref_squeeze %dma_wait3A_152 : memref<1x128x4x128xf32, #tpu.memory_space<hbm>> -> memref<128x4x128xf32, #tpu.memory_space<hbm>>
      %dma_wait3A_154 = arith.constant 0 : i32
      %dma_wait3A_155 = arith.constant 0 : i32
      %dma_wait3A_156 = tpu.memref_slice %arg2[%select_n3A, %add3A_60, %dma_wait3A_154, %dma_wait3A_155] : memref<16x2048x4x128xf32, #tpu.memory_space<hbm>> -> memref<1x128x4x128xf32, #tpu.memory_space<hbm>>
      %dma_wait3A_157 = tpu.memref_squeeze %dma_wait3A_156 : memref<1x128x4x128xf32, #tpu.memory_space<hbm>> -> memref<128x4x128xf32, #tpu.memory_space<hbm>>
      tpu.wait_dma2 semaphore(%arg6 : memref<!tpu.dma_semaphore, #tpu.memory_space<semaphore_mem>>) src(%dma_wait3A_157 : memref<128x4x128xf32, #tpu.memory_space<hbm>>) dst(%dma_wait3A_153 : memref<128x4x128xf32, #tpu.memory_space<hbm>>)
      %dma_wait3A_158 = arith.constant 0 : i32
      %dma_wait3A_159 = arith.constant 0 : i32
      %dma_wait3A_160 = tpu.memref_slice %arg3[%select_n3A, %add3A_74, %dma_wait3A_158, %dma_wait3A_159] : memref<16x2048x4x128xf32, #tpu.memory_space<hbm>> -> memref<1x128x4x128xf32, #tpu.memory_space<hbm>>
      %dma_wait3A_161 = tpu.memref_squeeze %dma_wait3A_160 : memref<1x128x4x128xf32, #tpu.memory_space<hbm>> -> memref<128x4x128xf32, #tpu.memory_space<hbm>>
      %dma_wait3A_162 = arith.constant 0 : i32
      %dma_wait3A_163 = arith.constant 0 : i32
      %dma_wait3A_164 = tpu.memref_slice %arg2[%select_n3A, %add3A_72, %dma_wait3A_162, %dma_wait3A_163] : memref<16x2048x4x128xf32, #tpu.memory_space<hbm>> -> memref<1x128x4x128xf32, #tpu.memory_space<hbm>>
      %dma_wait3A_165 = tpu.memref_squeeze %dma_wait3A_164 : memref<1x128x4x128xf32, #tpu.memory_space<hbm>> -> memref<128x4x128xf32, #tpu.memory_space<hbm>>
      tpu.wait_dma2 semaphore(%arg6 : memref<!tpu.dma_semaphore, #tpu.memory_space<semaphore_mem>>) src(%dma_wait3A_165 : memref<128x4x128xf32, #tpu.memory_space<hbm>>) dst(%dma_wait3A_161 : memref<128x4x128xf32, #tpu.memory_space<hbm>>)
      %dma_wait3A_166 = arith.constant 0 : i32
      %dma_wait3A_167 = arith.constant 0 : i32
      %dma_wait3A_168 = tpu.memref_slice %arg3[%select_n3A, %add3A_86, %dma_wait3A_166, %dma_wait3A_167] : memref<16x2048x4x128xf32, #tpu.memory_space<hbm>> -> memref<1x128x4x128xf32, #tpu.memory_space<hbm>>
      %dma_wait3A_169 = tpu.memref_squeeze %dma_wait3A_168 : memref<1x128x4x128xf32, #tpu.memory_space<hbm>> -> memref<128x4x128xf32, #tpu.memory_space<hbm>>
      %dma_wait3A_170 = arith.constant 0 : i32
      %dma_wait3A_171 = arith.constant 0 : i32
      %dma_wait3A_172 = tpu.memref_slice %arg2[%select_n3A, %add3A_84, %dma_wait3A_170, %dma_wait3A_171] : memref<16x2048x4x128xf32, #tpu.memory_space<hbm>> -> memref<1x128x4x128xf32, #tpu.memory_space<hbm>>
      %dma_wait3A_173 = tpu.memref_squeeze %dma_wait3A_172 : memref<1x128x4x128xf32, #tpu.memory_space<hbm>> -> memref<128x4x128xf32, #tpu.memory_space<hbm>>
      tpu.wait_dma2 semaphore(%arg6 : memref<!tpu.dma_semaphore, #tpu.memory_space<semaphore_mem>>) src(%dma_wait3A_173 : memref<128x4x128xf32, #tpu.memory_space<hbm>>) dst(%dma_wait3A_169 : memref<128x4x128xf32, #tpu.memory_space<hbm>>)
      %dma_wait3A_174 = arith.constant 0 : i32
      %dma_wait3A_175 = arith.constant 0 : i32
      %dma_wait3A_176 = tpu.memref_slice %arg3[%select_n3A, %add3A_98, %dma_wait3A_174, %dma_wait3A_175] : memref<16x2048x4x128xf32, #tpu.memory_space<hbm>> -> memref<1x128x4x128xf32, #tpu.memory_space<hbm>>
      %dma_wait3A_177 = tpu.memref_squeeze %dma_wait3A_176 : memref<1x128x4x128xf32, #tpu.memory_space<hbm>> -> memref<128x4x128xf32, #tpu.memory_space<hbm>>
      %dma_wait3A_178 = arith.constant 0 : i32
      %dma_wait3A_179 = arith.constant 0 : i32
      %dma_wait3A_180 = tpu.memref_slice %arg2[%select_n3A, %add3A_96, %dma_wait3A_178, %dma_wait3A_179] : memref<16x2048x4x128xf32, #tpu.memory_space<hbm>> -> memref<1x128x4x128xf32, #tpu.memory_space<hbm>>
      %dma_wait3A_181 = tpu.memref_squeeze %dma_wait3A_180 : memref<1x128x4x128xf32, #tpu.memory_space<hbm>> -> memref<128x4x128xf32, #tpu.memory_space<hbm>>
      tpu.wait_dma2 semaphore(%arg6 : memref<!tpu.dma_semaphore, #tpu.memory_space<semaphore_mem>>) src(%dma_wait3A_181 : memref<128x4x128xf32, #tpu.memory_space<hbm>>) dst(%dma_wait3A_177 : memref<128x4x128xf32, #tpu.memory_space<hbm>>)
      %dma_wait3A_182 = arith.constant 0 : i32
      %dma_wait3A_183 = arith.constant 0 : i32
      %dma_wait3A_184 = tpu.memref_slice %arg3[%select_n3A, %add3A_110, %dma_wait3A_182, %dma_wait3A_183] : memref<16x2048x4x128xf32, #tpu.memory_space<hbm>> -> memref<1x128x4x128xf32, #tpu.memory_space<hbm>>
      %dma_wait3A_185 = tpu.memref_squeeze %dma_wait3A_184 : memref<1x128x4x128xf32, #tpu.memory_space<hbm>> -> memref<128x4x128xf32, #tpu.memory_space<hbm>>
      %dma_wait3A_186 = arith.constant 0 : i32
      %dma_wait3A_187 = arith.constant 0 : i32
      %dma_wait3A_188 = tpu.memref_slice %arg2[%select_n3A, %add3A_108, %dma_wait3A_186, %dma_wait3A_187] : memref<16x2048x4x128xf32, #tpu.memory_space<hbm>> -> memref<1x128x4x128xf32, #tpu.memory_space<hbm>>
      %dma_wait3A_189 = tpu.memref_squeeze %dma_wait3A_188 : memref<1x128x4x128xf32, #tpu.memory_space<hbm>> -> memref<128x4x128xf32, #tpu.memory_space<hbm>>
      tpu.wait_dma2 semaphore(%arg6 : memref<!tpu.dma_semaphore, #tpu.memory_space<semaphore_mem>>) src(%dma_wait3A_189 : memref<128x4x128xf32, #tpu.memory_space<hbm>>) dst(%dma_wait3A_185 : memref<128x4x128xf32, #tpu.memory_space<hbm>>)
      %dma_wait3A_190 = arith.constant 0 : i32
      %dma_wait3A_191 = arith.constant 0 : i32
      %dma_wait3A_192 = tpu.memref_slice %arg3[%select_n3A, %add3A_122, %dma_wait3A_190, %dma_wait3A_191] : memref<16x2048x4x128xf32, #tpu.memory_space<hbm>> -> memref<1x128x4x128xf32, #tpu.memory_space<hbm>>
      %dma_wait3A_193 = tpu.memref_squeeze %dma_wait3A_192 : memref<1x128x4x128xf32, #tpu.memory_space<hbm>> -> memref<128x4x128xf32, #tpu.memory_space<hbm>>
      %dma_wait3A_194 = arith.constant 0 : i32
      %dma_wait3A_195 = arith.constant 0 : i32
      %dma_wait3A_196 = tpu.memref_slice %arg2[%select_n3A, %add3A_120, %dma_wait3A_194, %dma_wait3A_195] : memref<16x2048x4x128xf32, #tpu.memory_space<hbm>> -> memref<1x128x4x128xf32, #tpu.memory_space<hbm>>
      %dma_wait3A_197 = tpu.memref_squeeze %dma_wait3A_196 : memref<1x128x4x128xf32, #tpu.memory_space<hbm>> -> memref<128x4x128xf32, #tpu.memory_space<hbm>>
      tpu.wait_dma2 semaphore(%arg6 : memref<!tpu.dma_semaphore, #tpu.memory_space<semaphore_mem>>) src(%dma_wait3A_197 : memref<128x4x128xf32, #tpu.memory_space<hbm>>) dst(%dma_wait3A_193 : memref<128x4x128xf32, #tpu.memory_space<hbm>>)
      %dma_wait3A_198 = arith.constant 0 : i32
      %dma_wait3A_199 = arith.constant 0 : i32
      %dma_wait3A_200 = tpu.memref_slice %arg3[%select_n3A, %add3A_134, %dma_wait3A_198, %dma_wait3A_199] : memref<16x2048x4x128xf32, #tpu.memory_space<hbm>> -> memref<1x128x4x128xf32, #tpu.memory_space<hbm>>
      %dma_wait3A_201 = tpu.memref_squeeze %dma_wait3A_200 : memref<1x128x4x128xf32, #tpu.memory_space<hbm>> -> memref<128x4x128xf32, #tpu.memory_space<hbm>>
      %dma_wait3A_202 = arith.constant 0 : i32
      %dma_wait3A_203 = arith.constant 0 : i32
      %dma_wait3A_204 = tpu.memref_slice %arg2[%select_n3A, %add3A_132, %dma_wait3A_202, %dma_wait3A_203] : memref<16x2048x4x128xf32, #tpu.memory_space<hbm>> -> memref<1x128x4x128xf32, #tpu.memory_space<hbm>>
      %dma_wait3A_205 = tpu.memref_squeeze %dma_wait3A_204 : memref<1x128x4x128xf32, #tpu.memory_space<hbm>> -> memref<128x4x128xf32, #tpu.memory_space<hbm>>
      tpu.wait_dma2 semaphore(%arg6 : memref<!tpu.dma_semaphore, #tpu.memory_space<semaphore_mem>>) src(%dma_wait3A_205 : memref<128x4x128xf32, #tpu.memory_space<hbm>>) dst(%dma_wait3A_201 : memref<128x4x128xf32, #tpu.memory_space<hbm>>)
    } else {
    }
    %convert_element_type3A_45 = arith.extui %or3A_42 : i1 to i32
    %cond3A_46 = arith.constant 0 : i32
    %cond3A_47 = arith.cmpi ne, %convert_element_type3A_45, %cond3A_46 : i32
    scf.if %cond3A_47 {
      %broadcast_in_dim3A = arith.constant 0.000000e+00 : f32
      %broadcast_in_dim3A_48 = vector.broadcast %broadcast_in_dim3A : f32 to vector<16xf32>
      %scan3A = arith.constant 0 : i32
      %scan3A_49 = arith.constant 0 : i32
      %scan3A_50 = arith.constant 128 : i32
      %scan3A_51 = arith.addi %scan3A_49, %scan3A_50 : i32
      %scan3A_52 = arith.constant 1 : i32
      scf.for %scan3A_201 = %scan3A_49 to %scan3A_51 step %scan3A_52  : i32 {
        %swap3A = arith.constant 0 : i32
        %swap3A_202 = arith.index_cast %scan3A_201 : i32 to index
        %swap3A_203 = arith.index_cast %swap3A : i32 to index
        %swap3A_204 = arith.constant 0 : index
        %swap3A_205 = tpu.vector_load %arg4[%swap3A_202, %swap3A_203, %swap3A_204] {strides = array<i32>} : memref<128x4x128xf32, #tpu.memory_space<vmem>>, vector<1x1x16xf32>,
        %swap3A_206 = vector.shape_cast %swap3A_205 : vector<1x1x16xf32> to vector<16xf32>
        %swap3A_207 = vector.shape_cast %broadcast_in_dim3A_48 : vector<16xf32> to vector<1x1x16xf32>
        tpu.vector_store %arg4[%swap3A_202, %swap3A_203, %swap3A_204], %swap3A_207 {strides = array<i32>} : memref<128x4x128xf32, #tpu.memory_space<vmem>>, vector<1x1x16xf32>,
        %swap3A_208 = arith.constant 0 : i32
        %swap3A_209 = arith.index_cast %scan3A_201 : i32 to index
        %swap3A_210 = arith.index_cast %swap3A_208 : i32 to index
        %swap3A_211 = arith.constant 16 : index
        %swap3A_212 = tpu.vector_load %arg4[%swap3A_209, %swap3A_210, %swap3A_211] {strides = array<i32>} : memref<128x4x128xf32, #tpu.memory_space<vmem>>, vector<1x1x16xf32>,
        %swap3A_213 = vector.shape_cast %swap3A_212 : vector<1x1x16xf32> to vector<16xf32>
        %swap3A_214 = vector.shape_cast %broadcast_in_dim3A_48 : vector<16xf32> to vector<1x1x16xf32>
        tpu.vector_store %arg4[%swap3A_209, %swap3A_210, %swap3A_211], %swap3A_214 {strides = array<i32>} : memref<128x4x128xf32, #tpu.memory_space<vmem>>, vector<1x1x16xf32>,
        %swap3A_215 = arith.constant 0 : i32
        %swap3A_216 = arith.index_cast %scan3A_201 : i32 to index
        %swap3A_217 = arith.index_cast %swap3A_215 : i32 to index
        %swap3A_218 = arith.constant 32 : index
        %swap3A_219 = tpu.vector_load %arg4[%swap3A_216, %swap3A_217, %swap3A_218] {strides = array<i32>} : memref<128x4x128xf32, #tpu.memory_space<vmem>>, vector<1x1x16xf32>,
        %swap3A_220 = vector.shape_cast %swap3A_219 : vector<1x1x16xf32> to vector<16xf32>
        %swap3A_221 = vector.shape_cast %broadcast_in_dim3A_48 : vector<16xf32> to vector<1x1x16xf32>
        tpu.vector_store %arg4[%swap3A_216, %swap3A_217, %swap3A_218], %swap3A_221 {strides = array<i32>} : memref<128x4x128xf32, #tpu.memory_space<vmem>>, vector<1x1x16xf32>,
        %swap3A_222 = arith.constant 0 : i32
        %swap3A_223 = arith.index_cast %scan3A_201 : i32 to index
        %swap3A_224 = arith.index_cast %swap3A_222 : i32 to index
        %swap3A_225 = arith.constant 48 : index
        %swap3A_226 = tpu.vector_load %arg4[%swap3A_223, %swap3A_224, %swap3A_225] {strides = array<i32>} : memref<128x4x128xf32, #tpu.memory_space<vmem>>, vector<1x1x16xf32>,
        %swap3A_227 = vector.shape_cast %swap3A_226 : vector<1x1x16xf32> to vector<16xf32>
        %swap3A_228 = vector.shape_cast %broadcast_in_dim3A_48 : vector<16xf32> to vector<1x1x16xf32>
        tpu.vector_store %arg4[%swap3A_223, %swap3A_224, %swap3A_225], %swap3A_228 {strides = array<i32>} : memref<128x4x128xf32, #tpu.memory_space<vmem>>, vector<1x1x16xf32>,
        %swap3A_229 = arith.constant 0 : i32
        %swap3A_230 = arith.index_cast %scan3A_201 : i32 to index
        %swap3A_231 = arith.index_cast %swap3A_229 : i32 to index
        %swap3A_232 = arith.constant 64 : index
        %swap3A_233 = tpu.vector_load %arg4[%swap3A_230, %swap3A_231, %swap3A_232] {strides = array<i32>} : memref<128x4x128xf32, #tpu.memory_space<vmem>>, vector<1x1x16xf32>,
        %swap3A_234 = vector.shape_cast %swap3A_233 : vector<1x1x16xf32> to vector<16xf32>
        %swap3A_235 = vector.shape_cast %broadcast_in_dim3A_48 : vector<16xf32> to vector<1x1x16xf32>
        tpu.vector_store %arg4[%swap3A_230, %swap3A_231, %swap3A_232], %swap3A_235 {strides = array<i32>} : memref<128x4x128xf32, #tpu.memory_space<vmem>>, vector<1x1x16xf32>,
        %swap3A_236 = arith.constant 0 : i32
        %swap3A_237 = arith.index_cast %scan3A_201 : i32 to index
        %swap3A_238 = arith.index_cast %swap3A_236 : i32 to index
        %swap3A_239 = arith.constant 80 : index
        %swap3A_240 = tpu.vector_load %arg4[%swap3A_237, %swap3A_238, %swap3A_239] {strides = array<i32>} : memref<128x4x128xf32, #tpu.memory_space<vmem>>, vector<1x1x16xf32>,
        %swap3A_241 = vector.shape_cast %swap3A_240 : vector<1x1x16xf32> to vector<16xf32>
        %swap3A_242 = vector.shape_cast %broadcast_in_dim3A_48 : vector<16xf32> to vector<1x1x16xf32>
        tpu.vector_store %arg4[%swap3A_237, %swap3A_238, %swap3A_239], %swap3A_242 {strides = array<i32>} : memref<128x4x128xf32, #tpu.memory_space<vmem>>, vector<1x1x16xf32>,
        %swap3A_243 = arith.constant 0 : i32
        %swap3A_244 = arith.index_cast %scan3A_201 : i32 to index
        %swap3A_245 = arith.index_cast %swap3A_243 : i32 to index
        %swap3A_246 = arith.constant 96 : index
        %swap3A_247 = tpu.vector_load %arg4[%swap3A_244, %swap3A_245, %swap3A_246] {strides = array<i32>} : memref<128x4x128xf32, #tpu.memory_space<vmem>>, vector<1x1x16xf32>,
        %swap3A_248 = vector.shape_cast %swap3A_247 : vector<1x1x16xf32> to vector<16xf32>
        %swap3A_249 = vector.shape_cast %broadcast_in_dim3A_48 : vector<16xf32> to vector<1x1x16xf32>
        tpu.vector_store %arg4[%swap3A_244, %swap3A_245, %swap3A_246], %swap3A_249 {strides = array<i32>} : memref<128x4x128xf32, #tpu.memory_space<vmem>>, vector<1x1x16xf32>,
        %swap3A_250 = arith.constant 0 : i32
        %swap3A_251 = arith.index_cast %scan3A_201 : i32 to index
        %swap3A_252 = arith.index_cast %swap3A_250 : i32 to index
        %swap3A_253 = arith.constant 112 : index
        %swap3A_254 = tpu.vector_load %arg4[%swap3A_251, %swap3A_252, %swap3A_253] {strides = array<i32>} : memref<128x4x128xf32, #tpu.memory_space<vmem>>, vector<1x1x16xf32>,
        %swap3A_255 = vector.shape_cast %swap3A_254 : vector<1x1x16xf32> to vector<16xf32>
        %swap3A_256 = vector.shape_cast %broadcast_in_dim3A_48 : vector<16xf32> to vector<1x1x16xf32>
        tpu.vector_store %arg4[%swap3A_251, %swap3A_252, %swap3A_253], %swap3A_256 {strides = array<i32>} : memref<128x4x128xf32, #tpu.memory_space<vmem>>, vector<1x1x16xf32>,
        %swap3A_257 = arith.constant 1 : i32
        %swap3A_258 = arith.index_cast %scan3A_201 : i32 to index
        %swap3A_259 = arith.index_cast %swap3A_257 : i32 to index
        %swap3A_260 = arith.constant 0 : index
        %swap3A_261 = tpu.vector_load %arg4[%swap3A_258, %swap3A_259, %swap3A_260] {strides = array<i32>} : memref<128x4x128xf32, #tpu.memory_space<vmem>>, vector<1x1x16xf32>,
        %swap3A_262 = vector.shape_cast %swap3A_261 : vector<1x1x16xf32> to vector<16xf32>
        %swap3A_263 = vector.shape_cast %broadcast_in_dim3A_48 : vector<16xf32> to vector<1x1x16xf32>
        tpu.vector_store %arg4[%swap3A_258, %swap3A_259, %swap3A_260], %swap3A_263 {strides = array<i32>} : memref<128x4x128xf32, #tpu.memory_space<vmem>>, vector<1x1x16xf32>,
        %swap3A_264 = arith.constant 1 : i32
        %swap3A_265 = arith.index_cast %scan3A_201 : i32 to index
        %swap3A_266 = arith.index_cast %swap3A_264 : i32 to index
        %swap3A_267 = arith.constant 16 : index
        %swap3A_268 = tpu.vector_load %arg4[%swap3A_265, %swap3A_266, %swap3A_267] {strides = array<i32>} : memref<128x4x128xf32, #tpu.memory_space<vmem>>, vector<1x1x16xf32>,
        %swap3A_269 = vector.shape_cast %swap3A_268 : vector<1x1x16xf32> to vector<16xf32>
        %swap3A_270 = vector.shape_cast %broadcast_in_dim3A_48 : vector<16xf32> to vector<1x1x16xf32>
        tpu.vector_store %arg4[%swap3A_265, %swap3A_266, %swap3A_267], %swap3A_270 {strides = array<i32>} : memref<128x4x128xf32, #tpu.memory_space<vmem>>, vector<1x1x16xf32>,
        %swap3A_271 = arith.constant 1 : i32
        %swap3A_272 = arith.index_cast %scan3A_201 : i32 to index
        %swap3A_273 = arith.index_cast %swap3A_271 : i32 to index
        %swap3A_274 = arith.constant 32 : index
        %swap3A_275 = tpu.vector_load %arg4[%swap3A_272, %swap3A_273, %swap3A_274] {strides = array<i32>} : memref<128x4x128xf32, #tpu.memory_space<vmem>>, vector<1x1x16xf32>,
        %swap3A_276 = vector.shape_cast %swap3A_275 : vector<1x1x16xf32> to vector<16xf32>
        %swap3A_277 = vector.shape_cast %broadcast_in_dim3A_48 : vector<16xf32> to vector<1x1x16xf32>
        tpu.vector_store %arg4[%swap3A_272, %swap3A_273, %swap3A_274], %swap3A_277 {strides = array<i32>} : memref<128x4x128xf32, #tpu.memory_space<vmem>>, vector<1x1x16xf32>,
        %swap3A_278 = arith.constant 1 : i32
        %swap3A_279 = arith.index_cast %scan3A_201 : i32 to index
        %swap3A_280 = arith.index_cast %swap3A_278 : i32 to index
        %swap3A_281 = arith.constant 48 : index
        %swap3A_282 = tpu.vector_load %arg4[%swap3A_279, %swap3A_280, %swap3A_281] {strides = array<i32>} : memref<128x4x128xf32, #tpu.memory_space<vmem>>, vector<1x1x16xf32>,
        %swap3A_283 = vector.shape_cast %swap3A_282 : vector<1x1x16xf32> to vector<16xf32>
        %swap3A_284 = vector.shape_cast %broadcast_in_dim3A_48 : vector<16xf32> to vector<1x1x16xf32>
        tpu.vector_store %arg4[%swap3A_279, %swap3A_280, %swap3A_281], %swap3A_284 {strides = array<i32>} : memref<128x4x128xf32, #tpu.memory_space<vmem>>, vector<1x1x16xf32>,
        %swap3A_285 = arith.constant 1 : i32
        %swap3A_286 = arith.index_cast %scan3A_201 : i32 to index
        %swap3A_287 = arith.index_cast %swap3A_285 : i32 to index
        %swap3A_288 = arith.constant 64 : index
        %swap3A_289 = tpu.vector_load %arg4[%swap3A_286, %swap3A_287, %swap3A_288] {strides = array<i32>} : memref<128x4x128xf32, #tpu.memory_space<vmem>>, vector<1x1x16xf32>,
        %swap3A_290 = vector.shape_cast %swap3A_289 : vector<1x1x16xf32> to vector<16xf32>
        %swap3A_291 = vector.shape_cast %broadcast_in_dim3A_48 : vector<16xf32> to vector<1x1x16xf32>
        tpu.vector_store %arg4[%swap3A_286, %swap3A_287, %swap3A_288], %swap3A_291 {strides = array<i32>} : memref<128x4x128xf32, #tpu.memory_space<vmem>>, vector<1x1x16xf32>,
        %swap3A_292 = arith.constant 1 : i32
        %swap3A_293 = arith.index_cast %scan3A_201 : i32 to index
        %swap3A_294 = arith.index_cast %swap3A_292 : i32 to index
        %swap3A_295 = arith.constant 80 : index
        %swap3A_296 = tpu.vector_load %arg4[%swap3A_293, %swap3A_294, %swap3A_295] {strides = array<i32>} : memref<128x4x128xf32, #tpu.memory_space<vmem>>, vector<1x1x16xf32>,
        %swap3A_297 = vector.shape_cast %swap3A_296 : vector<1x1x16xf32> to vector<16xf32>
        %swap3A_298 = vector.shape_cast %broadcast_in_dim3A_48 : vector<16xf32> to vector<1x1x16xf32>
        tpu.vector_store %arg4[%swap3A_293, %swap3A_294, %swap3A_295], %swap3A_298 {strides = array<i32>} : memref<128x4x128xf32, #tpu.memory_space<vmem>>, vector<1x1x16xf32>,
        %swap3A_299 = arith.constant 1 : i32
        %swap3A_300 = arith.index_cast %scan3A_201 : i32 to index
        %swap3A_301 = arith.index_cast %swap3A_299 : i32 to index
        %swap3A_302 = arith.constant 96 : index
        %swap3A_303 = tpu.vector_load %arg4[%swap3A_300, %swap3A_301, %swap3A_302] {strides = array<i32>} : memref<128x4x128xf32, #tpu.memory_space<vmem>>, vector<1x1x16xf32>,
        %swap3A_304 = vector.shape_cast %swap3A_303 : vector<1x1x16xf32> to vector<16xf32>
        %swap3A_305 = vector.shape_cast %broadcast_in_dim3A_48 : vector<16xf32> to vector<1x1x16xf32>
        tpu.vector_store %arg4[%swap3A_300, %swap3A_301, %swap3A_302], %swap3A_305 {strides = array<i32>} : memref<128x4x128xf32, #tpu.memory_space<vmem>>, vector<1x1x16xf32>,
        %swap3A_306 = arith.constant 1 : i32
        %swap3A_307 = arith.index_cast %scan3A_201 : i32 to index
        %swap3A_308 = arith.index_cast %swap3A_306 : i32 to index
        %swap3A_309 = arith.constant 112 : index
        %swap3A_310 = tpu.vector_load %arg4[%swap3A_307, %swap3A_308, %swap3A_309] {strides = array<i32>} : memref<128x4x128xf32, #tpu.memory_space<vmem>>, vector<1x1x16xf32>,
        %swap3A_311 = vector.shape_cast %swap3A_310 : vector<1x1x16xf32> to vector<16xf32>
        %swap3A_312 = vector.shape_cast %broadcast_in_dim3A_48 : vector<16xf32> to vector<1x1x16xf32>
        tpu.vector_store %arg4[%swap3A_307, %swap3A_308, %swap3A_309], %swap3A_312 {strides = array<i32>} : memref<128x4x128xf32, #tpu.memory_space<vmem>>, vector<1x1x16xf32>,
        %swap3A_313 = arith.constant 2 : i32
        %swap3A_314 = arith.index_cast %scan3A_201 : i32 to index
        %swap3A_315 = arith.index_cast %swap3A_313 : i32 to index
        %swap3A_316 = arith.constant 0 : index
        %swap3A_317 = tpu.vector_load %arg4[%swap3A_314, %swap3A_315, %swap3A_316] {strides = array<i32>} : memref<128x4x128xf32, #tpu.memory_space<vmem>>, vector<1x1x16xf32>,
        %swap3A_318 = vector.shape_cast %swap3A_317 : vector<1x1x16xf32> to vector<16xf32>
        %swap3A_319 = vector.shape_cast %broadcast_in_dim3A_48 : vector<16xf32> to vector<1x1x16xf32>
        tpu.vector_store %arg4[%swap3A_314, %swap3A_315, %swap3A_316], %swap3A_319 {strides = array<i32>} : memref<128x4x128xf32, #tpu.memory_space<vmem>>, vector<1x1x16xf32>,
        %swap3A_320 = arith.constant 2 : i32
        %swap3A_321 = arith.index_cast %scan3A_201 : i32 to index
        %swap3A_322 = arith.index_cast %swap3A_320 : i32 to index
        %swap3A_323 = arith.constant 16 : index
        %swap3A_324 = tpu.vector_load %arg4[%swap3A_321, %swap3A_322, %swap3A_323] {strides = array<i32>} : memref<128x4x128xf32, #tpu.memory_space<vmem>>, vector<1x1x16xf32>,
        %swap3A_325 = vector.shape_cast %swap3A_324 : vector<1x1x16xf32> to vector<16xf32>
        %swap3A_326 = vector.shape_cast %broadcast_in_dim3A_48 : vector<16xf32> to vector<1x1x16xf32>
        tpu.vector_store %arg4[%swap3A_321, %swap3A_322, %swap3A_323], %swap3A_326 {strides = array<i32>} : memref<128x4x128xf32, #tpu.memory_space<vmem>>, vector<1x1x16xf32>,
        %swap3A_327 = arith.constant 2 : i32
        %swap3A_328 = arith.index_cast %scan3A_201 : i32 to index
        %swap3A_329 = arith.index_cast %swap3A_327 : i32 to index
        %swap3A_330 = arith.constant 32 : index
        %swap3A_331 = tpu.vector_load %arg4[%swap3A_328, %swap3A_329, %swap3A_330] {strides = array<i32>} : memref<128x4x128xf32, #tpu.memory_space<vmem>>, vector<1x1x16xf32>,
        %swap3A_332 = vector.shape_cast %swap3A_331 : vector<1x1x16xf32> to vector<16xf32>
        %swap3A_333 = vector.shape_cast %broadcast_in_dim3A_48 : vector<16xf32> to vector<1x1x16xf32>
        tpu.vector_store %arg4[%swap3A_328, %swap3A_329, %swap3A_330], %swap3A_333 {strides = array<i32>} : memref<128x4x128xf32, #tpu.memory_space<vmem>>, vector<1x1x16xf32>,
        %swap3A_334 = arith.constant 2 : i32
        %swap3A_335 = arith.index_cast %scan3A_201 : i32 to index
        %swap3A_336 = arith.index_cast %swap3A_334 : i32 to index
        %swap3A_337 = arith.constant 48 : index
        %swap3A_338 = tpu.vector_load %arg4[%swap3A_335, %swap3A_336, %swap3A_337] {strides = array<i32>} : memref<128x4x128xf32, #tpu.memory_space<vmem>>, vector<1x1x16xf32>,
        %swap3A_339 = vector.shape_cast %swap3A_338 : vector<1x1x16xf32> to vector<16xf32>
        %swap3A_340 = vector.shape_cast %broadcast_in_dim3A_48 : vector<16xf32> to vector<1x1x16xf32>
        tpu.vector_store %arg4[%swap3A_335, %swap3A_336, %swap3A_337], %swap3A_340 {strides = array<i32>} : memref<128x4x128xf32, #tpu.memory_space<vmem>>, vector<1x1x16xf32>,
        %swap3A_341 = arith.constant 2 : i32
        %swap3A_342 = arith.index_cast %scan3A_201 : i32 to index
        %swap3A_343 = arith.index_cast %swap3A_341 : i32 to index
        %swap3A_344 = arith.constant 64 : index
        %swap3A_345 = tpu.vector_load %arg4[%swap3A_342, %swap3A_343, %swap3A_344] {strides = array<i32>} : memref<128x4x128xf32, #tpu.memory_space<vmem>>, vector<1x1x16xf32>,
        %swap3A_346 = vector.shape_cast %swap3A_345 : vector<1x1x16xf32> to vector<16xf32>
        %swap3A_347 = vector.shape_cast %broadcast_in_dim3A_48 : vector<16xf32> to vector<1x1x16xf32>
        tpu.vector_store %arg4[%swap3A_342, %swap3A_343, %swap3A_344], %swap3A_347 {strides = array<i32>} : memref<128x4x128xf32, #tpu.memory_space<vmem>>, vector<1x1x16xf32>,
        %swap3A_348 = arith.constant 2 : i32
        %swap3A_349 = arith.index_cast %scan3A_201 : i32 to index
        %swap3A_350 = arith.index_cast %swap3A_348 : i32 to index
        %swap3A_351 = arith.constant 80 : index
        %swap3A_352 = tpu.vector_load %arg4[%swap3A_349, %swap3A_350, %swap3A_351] {strides = array<i32>} : memref<128x4x128xf32, #tpu.memory_space<vmem>>, vector<1x1x16xf32>,
        %swap3A_353 = vector.shape_cast %swap3A_352 : vector<1x1x16xf32> to vector<16xf32>
        %swap3A_354 = vector.shape_cast %broadcast_in_dim3A_48 : vector<16xf32> to vector<1x1x16xf32>
        tpu.vector_store %arg4[%swap3A_349, %swap3A_350, %swap3A_351], %swap3A_354 {strides = array<i32>} : memref<128x4x128xf32, #tpu.memory_space<vmem>>, vector<1x1x16xf32>,
        %swap3A_355 = arith.constant 2 : i32
        %swap3A_356 = arith.index_cast %scan3A_201 : i32 to index
        %swap3A_357 = arith.index_cast %swap3A_355 : i32 to index
        %swap3A_358 = arith.constant 96 : index
        %swap3A_359 = tpu.vector_load %arg4[%swap3A_356, %swap3A_357, %swap3A_358] {strides = array<i32>} : memref<128x4x128xf32, #tpu.memory_space<vmem>>, vector<1x1x16xf32>,
        %swap3A_360 = vector.shape_cast %swap3A_359 : vector<1x1x16xf32> to vector<16xf32>
        %swap3A_361 = vector.shape_cast %broadcast_in_dim3A_48 : vector<16xf32> to vector<1x1x16xf32>
        tpu.vector_store %arg4[%swap3A_356, %swap3A_357, %swap3A_358], %swap3A_361 {strides = array<i32>} : memref<128x4x128xf32, #tpu.memory_space<vmem>>, vector<1x1x16xf32>,
        %swap3A_362 = arith.constant 2 : i32
        %swap3A_363 = arith.index_cast %scan3A_201 : i32 to index
        %swap3A_364 = arith.index_cast %swap3A_362 : i32 to index
        %swap3A_365 = arith.constant 112 : index
        %swap3A_366 = tpu.vector_load %arg4[%swap3A_363, %swap3A_364, %swap3A_365] {strides = array<i32>} : memref<128x4x128xf32, #tpu.memory_space<vmem>>, vector<1x1x16xf32>,
        %swap3A_367 = vector.shape_cast %swap3A_366 : vector<1x1x16xf32> to vector<16xf32>
        %swap3A_368 = vector.shape_cast %broadcast_in_dim3A_48 : vector<16xf32> to vector<1x1x16xf32>
        tpu.vector_store %arg4[%swap3A_363, %swap3A_364, %swap3A_365], %swap3A_368 {strides = array<i32>} : memref<128x4x128xf32, #tpu.memory_space<vmem>>, vector<1x1x16xf32>,
        %swap3A_369 = arith.constant 3 : i32
        %swap3A_370 = arith.index_cast %scan3A_201 : i32 to index
        %swap3A_371 = arith.index_cast %swap3A_369 : i32 to index
        %swap3A_372 = arith.constant 0 : index
        %swap3A_373 = tpu.vector_load %arg4[%swap3A_370, %swap3A_371, %swap3A_372] {strides = array<i32>} : memref<128x4x128xf32, #tpu.memory_space<vmem>>, vector<1x1x16xf32>,
        %swap3A_374 = vector.shape_cast %swap3A_373 : vector<1x1x16xf32> to vector<16xf32>
        %swap3A_375 = vector.shape_cast %broadcast_in_dim3A_48 : vector<16xf32> to vector<1x1x16xf32>
        tpu.vector_store %arg4[%swap3A_370, %swap3A_371, %swap3A_372], %swap3A_375 {strides = array<i32>} : memref<128x4x128xf32, #tpu.memory_space<vmem>>, vector<1x1x16xf32>,
        %swap3A_376 = arith.constant 3 : i32
        %swap3A_377 = arith.index_cast %scan3A_201 : i32 to index
        %swap3A_378 = arith.index_cast %swap3A_376 : i32 to index
        %swap3A_379 = arith.constant 16 : index
        %swap3A_380 = tpu.vector_load %arg4[%swap3A_377, %swap3A_378, %swap3A_379] {strides = array<i32>} : memref<128x4x128xf32, #tpu.memory_space<vmem>>, vector<1x1x16xf32>,
        %swap3A_381 = vector.shape_cast %swap3A_380 : vector<1x1x16xf32> to vector<16xf32>
        %swap3A_382 = vector.shape_cast %broadcast_in_dim3A_48 : vector<16xf32> to vector<1x1x16xf32>
        tpu.vector_store %arg4[%swap3A_377, %swap3A_378, %swap3A_379], %swap3A_382 {strides = array<i32>} : memref<128x4x128xf32, #tpu.memory_space<vmem>>, vector<1x1x16xf32>,
        %swap3A_383 = arith.constant 3 : i32
        %swap3A_384 = arith.index_cast %scan3A_201 : i32 to index
        %swap3A_385 = arith.index_cast %swap3A_383 : i32 to index
        %swap3A_386 = arith.constant 32 : index
        %swap3A_387 = tpu.vector_load %arg4[%swap3A_384, %swap3A_385, %swap3A_386] {strides = array<i32>} : memref<128x4x128xf32, #tpu.memory_space<vmem>>, vector<1x1x16xf32>,
        %swap3A_388 = vector.shape_cast %swap3A_387 : vector<1x1x16xf32> to vector<16xf32>
        %swap3A_389 = vector.shape_cast %broadcast_in_dim3A_48 : vector<16xf32> to vector<1x1x16xf32>
        tpu.vector_store %arg4[%swap3A_384, %swap3A_385, %swap3A_386], %swap3A_389 {strides = array<i32>} : memref<128x4x128xf32, #tpu.memory_space<vmem>>, vector<1x1x16xf32>,
        %swap3A_390 = arith.constant 3 : i32
        %swap3A_391 = arith.index_cast %scan3A_201 : i32 to index
        %swap3A_392 = arith.index_cast %swap3A_390 : i32 to index
        %swap3A_393 = arith.constant 48 : index
        %swap3A_394 = tpu.vector_load %arg4[%swap3A_391, %swap3A_392, %swap3A_393] {strides = array<i32>} : memref<128x4x128xf32, #tpu.memory_space<vmem>>, vector<1x1x16xf32>,
        %swap3A_395 = vector.shape_cast %swap3A_394 : vector<1x1x16xf32> to vector<16xf32>
        %swap3A_396 = vector.shape_cast %broadcast_in_dim3A_48 : vector<16xf32> to vector<1x1x16xf32>
        tpu.vector_store %arg4[%swap3A_391, %swap3A_392, %swap3A_393], %swap3A_396 {strides = array<i32>} : memref<128x4x128xf32, #tpu.memory_space<vmem>>, vector<1x1x16xf32>,
        %swap3A_397 = arith.constant 3 : i32
        %swap3A_398 = arith.index_cast %scan3A_201 : i32 to index
        %swap3A_399 = arith.index_cast %swap3A_397 : i32 to index
        %swap3A_400 = arith.constant 64 : index
        %swap3A_401 = tpu.vector_load %arg4[%swap3A_398, %swap3A_399, %swap3A_400] {strides = array<i32>} : memref<128x4x128xf32, #tpu.memory_space<vmem>>, vector<1x1x16xf32>,
        %swap3A_402 = vector.shape_cast %swap3A_401 : vector<1x1x16xf32> to vector<16xf32>
        %swap3A_403 = vector.shape_cast %broadcast_in_dim3A_48 : vector<16xf32> to vector<1x1x16xf32>
        tpu.vector_store %arg4[%swap3A_398, %swap3A_399, %swap3A_400], %swap3A_403 {strides = array<i32>} : memref<128x4x128xf32, #tpu.memory_space<vmem>>, vector<1x1x16xf32>,
        %swap3A_404 = arith.constant 3 : i32
        %swap3A_405 = arith.index_cast %scan3A_201 : i32 to index
        %swap3A_406 = arith.index_cast %swap3A_404 : i32 to index
        %swap3A_407 = arith.constant 80 : index
        %swap3A_408 = tpu.vector_load %arg4[%swap3A_405, %swap3A_406, %swap3A_407] {strides = array<i32>} : memref<128x4x128xf32, #tpu.memory_space<vmem>>, vector<1x1x16xf32>,
        %swap3A_409 = vector.shape_cast %swap3A_408 : vector<1x1x16xf32> to vector<16xf32>
        %swap3A_410 = vector.shape_cast %broadcast_in_dim3A_48 : vector<16xf32> to vector<1x1x16xf32>
        tpu.vector_store %arg4[%swap3A_405, %swap3A_406, %swap3A_407], %swap3A_410 {strides = array<i32>} : memref<128x4x128xf32, #tpu.memory_space<vmem>>, vector<1x1x16xf32>,
        %swap3A_411 = arith.constant 3 : i32
        %swap3A_412 = arith.index_cast %scan3A_201 : i32 to index
        %swap3A_413 = arith.index_cast %swap3A_411 : i32 to index
        %swap3A_414 = arith.constant 96 : index
        %swap3A_415 = tpu.vector_load %arg4[%swap3A_412, %swap3A_413, %swap3A_414] {strides = array<i32>} : memref<128x4x128xf32, #tpu.memory_space<vmem>>, vector<1x1x16xf32>,
        %swap3A_416 = vector.shape_cast %swap3A_415 : vector<1x1x16xf32> to vector<16xf32>
        %swap3A_417 = vector.shape_cast %broadcast_in_dim3A_48 : vector<16xf32> to vector<1x1x16xf32>
        tpu.vector_store %arg4[%swap3A_412, %swap3A_413, %swap3A_414], %swap3A_417 {strides = array<i32>} : memref<128x4x128xf32, #tpu.memory_space<vmem>>, vector<1x1x16xf32>,
        %swap3A_418 = arith.constant 3 : i32
        %swap3A_419 = arith.index_cast %scan3A_201 : i32 to index
        %swap3A_420 = arith.index_cast %swap3A_418 : i32 to index
        %swap3A_421 = arith.constant 112 : index
        %swap3A_422 = tpu.vector_load %arg4[%swap3A_419, %swap3A_420, %swap3A_421] {strides = array<i32>} : memref<128x4x128xf32, #tpu.memory_space<vmem>>, vector<1x1x16xf32>,
        %swap3A_423 = vector.shape_cast %swap3A_422 : vector<1x1x16xf32> to vector<16xf32>
        %swap3A_424 = vector.shape_cast %broadcast_in_dim3A_48 : vector<16xf32> to vector<1x1x16xf32>
        tpu.vector_store %arg4[%swap3A_419, %swap3A_420, %swap3A_421], %swap3A_424 {strides = array<i32>} : memref<128x4x128xf32, #tpu.memory_space<vmem>>, vector<1x1x16xf32>,
      }
      %scan3A_53 = arith.constant 128 : i32
      %add3A_54 = arith.constant 0 : i32
      %add3A_55 = arith.addi %mul3A_32, %add3A_54 : i32
      %dma_start3A = arith.constant 0 : i32
      %dma_start3A_56 = arith.constant 0 : i32
      %dma_start3A_57 = tpu.memref_slice %arg3[%select_n3A, %add3A_55, %dma_start3A, %dma_start3A_56] : memref<16x2048x4x128xf32, #tpu.memory_space<hbm>> -> memref<1x128x4x128xf32, #tpu.memory_space<hbm>>
      %dma_start3A_58 = tpu.memref_squeeze %dma_start3A_57 : memref<1x128x4x128xf32, #tpu.memory_space<hbm>> -> memref<128x4x128xf32, #tpu.memory_space<hbm>>
      %dma_start3A_59 = arith.constant 0 : i32
      %dma_start3A_60 = arith.constant 0 : i32
      %dma_start3A_61 = tpu.memref_slice %arg3[%select_n3A, %add3A_55, %dma_start3A_59, %dma_start3A_60] : memref<16x2048x4x128xf32, #tpu.memory_space<hbm>> -> memref<1x128x4x128xf32, #tpu.memory_space<hbm>>
      %dma_start3A_62 = tpu.memref_squeeze %dma_start3A_61 : memref<1x128x4x128xf32, #tpu.memory_space<hbm>> -> memref<128x4x128xf32, #tpu.memory_space<hbm>>
      tpu.enqueue_dma source(%arg4 : memref<128x4x128xf32, #tpu.memory_space<vmem>>) target(%dma_start3A_62 : memref<128x4x128xf32, #tpu.memory_space<hbm>>) target_semaphore(%arg6 : memref<!tpu.dma_semaphore, #tpu.memory_space<semaphore_mem>>)
      %add3A_63 = arith.constant 128 : i32
      %add3A_64 = arith.addi %mul3A_32, %add3A_63 : i32
      %dma_start3A_65 = arith.constant 0 : i32
      %dma_start3A_66 = arith.constant 0 : i32
      %dma_start3A_67 = tpu.memref_slice %arg3[%select_n3A, %add3A_64, %dma_start3A_65, %dma_start3A_66] : memref<16x2048x4x128xf32, #tpu.memory_space<hbm>> -> memref<1x128x4x128xf32, #tpu.memory_space<hbm>>
      %dma_start3A_68 = tpu.memref_squeeze %dma_start3A_67 : memref<1x128x4x128xf32, #tpu.memory_space<hbm>> -> memref<128x4x128xf32, #tpu.memory_space<hbm>>
      %dma_start3A_69 = arith.constant 0 : i32
      %dma_start3A_70 = arith.constant 0 : i32
      %dma_start3A_71 = tpu.memref_slice %arg3[%select_n3A, %add3A_64, %dma_start3A_69, %dma_start3A_70] : memref<16x2048x4x128xf32, #tpu.memory_space<hbm>> -> memref<1x128x4x128xf32, #tpu.memory_space<hbm>>
      %dma_start3A_72 = tpu.memref_squeeze %dma_start3A_71 : memref<1x128x4x128xf32, #tpu.memory_space<hbm>> -> memref<128x4x128xf32, #tpu.memory_space<hbm>>
      tpu.enqueue_dma source(%arg4 : memref<128x4x128xf32, #tpu.memory_space<vmem>>) target(%dma_start3A_72 : memref<128x4x128xf32, #tpu.memory_space<hbm>>) target_semaphore(%arg6 : memref<!tpu.dma_semaphore, #tpu.memory_space<semaphore_mem>>)
      %add3A_73 = arith.constant 256 : i32
      %add3A_74 = arith.addi %mul3A_32, %add3A_73 : i32
      %dma_start3A_75 = arith.constant 0 : i32
      %dma_start3A_76 = arith.constant 0 : i32
      %dma_start3A_77 = tpu.memref_slice %arg3[%select_n3A, %add3A_74, %dma_start3A_75, %dma_start3A_76] : memref<16x2048x4x128xf32, #tpu.memory_space<hbm>> -> memref<1x128x4x128xf32, #tpu.memory_space<hbm>>
      %dma_start3A_78 = tpu.memref_squeeze %dma_start3A_77 : memref<1x128x4x128xf32, #tpu.memory_space<hbm>> -> memref<128x4x128xf32, #tpu.memory_space<hbm>>
      %dma_start3A_79 = arith.constant 0 : i32
      %dma_start3A_80 = arith.constant 0 : i32
      %dma_start3A_81 = tpu.memref_slice %arg3[%select_n3A, %add3A_74, %dma_start3A_79, %dma_start3A_80] : memref<16x2048x4x128xf32, #tpu.memory_space<hbm>> -> memref<1x128x4x128xf32, #tpu.memory_space<hbm>>
      %dma_start3A_82 = tpu.memref_squeeze %dma_start3A_81 : memref<1x128x4x128xf32, #tpu.memory_space<hbm>> -> memref<128x4x128xf32, #tpu.memory_space<hbm>>
      tpu.enqueue_dma source(%arg4 : memref<128x4x128xf32, #tpu.memory_space<vmem>>) target(%dma_start3A_82 : memref<128x4x128xf32, #tpu.memory_space<hbm>>) target_semaphore(%arg6 : memref<!tpu.dma_semaphore, #tpu.memory_space<semaphore_mem>>)
      %add3A_83 = arith.constant 384 : i32
      %add3A_84 = arith.addi %mul3A_32, %add3A_83 : i32
      %dma_start3A_85 = arith.constant 0 : i32
      %dma_start3A_86 = arith.constant 0 : i32
      %dma_start3A_87 = tpu.memref_slice %arg3[%select_n3A, %add3A_84, %dma_start3A_85, %dma_start3A_86] : memref<16x2048x4x128xf32, #tpu.memory_space<hbm>> -> memref<1x128x4x128xf32, #tpu.memory_space<hbm>>
      %dma_start3A_88 = tpu.memref_squeeze %dma_start3A_87 : memref<1x128x4x128xf32, #tpu.memory_space<hbm>> -> memref<128x4x128xf32, #tpu.memory_space<hbm>>
      %dma_start3A_89 = arith.constant 0 : i32
      %dma_start3A_90 = arith.constant 0 : i32
      %dma_start3A_91 = tpu.memref_slice %arg3[%select_n3A, %add3A_84, %dma_start3A_89, %dma_start3A_90] : memref<16x2048x4x128xf32, #tpu.memory_space<hbm>> -> memref<1x128x4x128xf32, #tpu.memory_space<hbm>>
      %dma_start3A_92 = tpu.memref_squeeze %dma_start3A_91 : memref<1x128x4x128xf32, #tpu.memory_space<hbm>> -> memref<128x4x128xf32, #tpu.memory_space<hbm>>
      tpu.enqueue_dma source(%arg4 : memref<128x4x128xf32, #tpu.memory_space<vmem>>) target(%dma_start3A_92 : memref<128x4x128xf32, #tpu.memory_space<hbm>>) target_semaphore(%arg6 : memref<!tpu.dma_semaphore, #tpu.memory_space<semaphore_mem>>)
      %add3A_93 = arith.constant 512 : i32
      %add3A_94 = arith.addi %mul3A_32, %add3A_93 : i32
      %dma_start3A_95 = arith.constant 0 : i32
      %dma_start3A_96 = arith.constant 0 : i32
      %dma_start3A_97 = tpu.memref_slice %arg3[%select_n3A, %add3A_94, %dma_start3A_95, %dma_start3A_96] : memref<16x2048x4x128xf32, #tpu.memory_space<hbm>> -> memref<1x128x4x128xf32, #tpu.memory_space<hbm>>
      %dma_start3A_98 = tpu.memref_squeeze %dma_start3A_97 : memref<1x128x4x128xf32, #tpu.memory_space<hbm>> -> memref<128x4x128xf32, #tpu.memory_space<hbm>>
      %dma_start3A_99 = arith.constant 0 : i32
      %dma_start3A_100 = arith.constant 0 : i32
      %dma_start3A_101 = tpu.memref_slice %arg3[%select_n3A, %add3A_94, %dma_start3A_99, %dma_start3A_100] : memref<16x2048x4x128xf32, #tpu.memory_space<hbm>> -> memref<1x128x4x128xf32, #tpu.memory_space<hbm>>
      %dma_start3A_102 = tpu.memref_squeeze %dma_start3A_101 : memref<1x128x4x128xf32, #tpu.memory_space<hbm>> -> memref<128x4x128xf32, #tpu.memory_space<hbm>>
      tpu.enqueue_dma source(%arg4 : memref<128x4x128xf32, #tpu.memory_space<vmem>>) target(%dma_start3A_102 : memref<128x4x128xf32, #tpu.memory_space<hbm>>) target_semaphore(%arg6 : memref<!tpu.dma_semaphore, #tpu.memory_space<semaphore_mem>>)
      %add3A_103 = arith.constant 640 : i32
      %add3A_104 = arith.addi %mul3A_32, %add3A_103 : i32
      %dma_start3A_105 = arith.constant 0 : i32
      %dma_start3A_106 = arith.constant 0 : i32
      %dma_start3A_107 = tpu.memref_slice %arg3[%select_n3A, %add3A_104, %dma_start3A_105, %dma_start3A_106] : memref<16x2048x4x128xf32, #tpu.memory_space<hbm>> -> memref<1x128x4x128xf32, #tpu.memory_space<hbm>>
      %dma_start3A_108 = tpu.memref_squeeze %dma_start3A_107 : memref<1x128x4x128xf32, #tpu.memory_space<hbm>> -> memref<128x4x128xf32, #tpu.memory_space<hbm>>
      %dma_start3A_109 = arith.constant 0 : i32
      %dma_start3A_110 = arith.constant 0 : i32
      %dma_start3A_111 = tpu.memref_slice %arg3[%select_n3A, %add3A_104, %dma_start3A_109, %dma_start3A_110] : memref<16x2048x4x128xf32, #tpu.memory_space<hbm>> -> memref<1x128x4x128xf32, #tpu.memory_space<hbm>>
      %dma_start3A_112 = tpu.memref_squeeze %dma_start3A_111 : memref<1x128x4x128xf32, #tpu.memory_space<hbm>> -> memref<128x4x128xf32, #tpu.memory_space<hbm>>
      tpu.enqueue_dma source(%arg4 : memref<128x4x128xf32, #tpu.memory_space<vmem>>) target(%dma_start3A_112 : memref<128x4x128xf32, #tpu.memory_space<hbm>>) target_semaphore(%arg6 : memref<!tpu.dma_semaphore, #tpu.memory_space<semaphore_mem>>)
      %add3A_113 = arith.constant 768 : i32
      %add3A_114 = arith.addi %mul3A_32, %add3A_113 : i32
      %dma_start3A_115 = arith.constant 0 : i32
      %dma_start3A_116 = arith.constant 0 : i32
      %dma_start3A_117 = tpu.memref_slice %arg3[%select_n3A, %add3A_114, %dma_start3A_115, %dma_start3A_116] : memref<16x2048x4x128xf32, #tpu.memory_space<hbm>> -> memref<1x128x4x128xf32, #tpu.memory_space<hbm>>
      %dma_start3A_118 = tpu.memref_squeeze %dma_start3A_117 : memref<1x128x4x128xf32, #tpu.memory_space<hbm>> -> memref<128x4x128xf32, #tpu.memory_space<hbm>>
      %dma_start3A_119 = arith.constant 0 : i32
      %dma_start3A_120 = arith.constant 0 : i32
      %dma_start3A_121 = tpu.memref_slice %arg3[%select_n3A, %add3A_114, %dma_start3A_119, %dma_start3A_120] : memref<16x2048x4x128xf32, #tpu.memory_space<hbm>> -> memref<1x128x4x128xf32, #tpu.memory_space<hbm>>
      %dma_start3A_122 = tpu.memref_squeeze %dma_start3A_121 : memref<1x128x4x128xf32, #tpu.memory_space<hbm>> -> memref<128x4x128xf32, #tpu.memory_space<hbm>>
      tpu.enqueue_dma source(%arg4 : memref<128x4x128xf32, #tpu.memory_space<vmem>>) target(%dma_start3A_122 : memref<128x4x128xf32, #tpu.memory_space<hbm>>) target_semaphore(%arg6 : memref<!tpu.dma_semaphore, #tpu.memory_space<semaphore_mem>>)
      %add3A_123 = arith.constant 896 : i32
      %add3A_124 = arith.addi %mul3A_32, %add3A_123 : i32
      %dma_start3A_125 = arith.constant 0 : i32
      %dma_start3A_126 = arith.constant 0 : i32
      %dma_start3A_127 = tpu.memref_slice %arg3[%select_n3A, %add3A_124, %dma_start3A_125, %dma_start3A_126] : memref<16x2048x4x128xf32, #tpu.memory_space<hbm>> -> memref<1x128x4x128xf32, #tpu.memory_space<hbm>>
      %dma_start3A_128 = tpu.memref_squeeze %dma_start3A_127 : memref<1x128x4x128xf32, #tpu.memory_space<hbm>> -> memref<128x4x128xf32, #tpu.memory_space<hbm>>
      %dma_start3A_129 = arith.constant 0 : i32
      %dma_start3A_130 = arith.constant 0 : i32
      %dma_start3A_131 = tpu.memref_slice %arg3[%select_n3A, %add3A_124, %dma_start3A_129, %dma_start3A_130] : memref<16x2048x4x128xf32, #tpu.memory_space<hbm>> -> memref<1x128x4x128xf32, #tpu.memory_space<hbm>>
      %dma_start3A_132 = tpu.memref_squeeze %dma_start3A_131 : memref<1x128x4x128xf32, #tpu.memory_space<hbm>> -> memref<128x4x128xf32, #tpu.memory_space<hbm>>
      tpu.enqueue_dma source(%arg4 : memref<128x4x128xf32, #tpu.memory_space<vmem>>) target(%dma_start3A_132 : memref<128x4x128xf32, #tpu.memory_space<hbm>>) target_semaphore(%arg6 : memref<!tpu.dma_semaphore, #tpu.memory_space<semaphore_mem>>)
      %dma_wait3A = arith.constant 0 : i32
      %dma_wait3A_133 = arith.constant 0 : i32
      %dma_wait3A_134 = tpu.memref_slice %arg3[%select_n3A, %add3A_55, %dma_wait3A, %dma_wait3A_133] : memref<16x2048x4x128xf32, #tpu.memory_space<hbm>> -> memref<1x128x4x128xf32, #tpu.memory_space<hbm>>
      %dma_wait3A_135 = tpu.memref_squeeze %dma_wait3A_134 : memref<1x128x4x128xf32, #tpu.memory_space<hbm>> -> memref<128x4x128xf32, #tpu.memory_space<hbm>>
      %dma_wait3A_136 = arith.constant 0 : i32
      %dma_wait3A_137 = arith.constant 0 : i32
      %dma_wait3A_138 = tpu.memref_slice %arg3[%select_n3A, %add3A_55, %dma_wait3A_136, %dma_wait3A_137] : memref<16x2048x4x128xf32, #tpu.memory_space<hbm>> -> memref<1x128x4x128xf32, #tpu.memory_space<hbm>>
      %dma_wait3A_139 = tpu.memref_squeeze %dma_wait3A_138 : memref<1x128x4x128xf32, #tpu.memory_space<hbm>> -> memref<128x4x128xf32, #tpu.memory_space<hbm>>
      tpu.wait_dma2 semaphore(%arg6 : memref<!tpu.dma_semaphore, #tpu.memory_space<semaphore_mem>>) src(%arg4 : memref<128x4x128xf32, #tpu.memory_space<vmem>>) dst(%dma_wait3A_139 : memref<128x4x128xf32, #tpu.memory_space<hbm>>)
      %dma_wait3A_140 = arith.constant 0 : i32
      %dma_wait3A_141 = arith.constant 0 : i32
      %dma_wait3A_142 = tpu.memref_slice %arg3[%select_n3A, %add3A_64, %dma_wait3A_140, %dma_wait3A_141] : memref<16x2048x4x128xf32, #tpu.memory_space<hbm>> -> memref<1x128x4x128xf32, #tpu.memory_space<hbm>>
      %dma_wait3A_143 = tpu.memref_squeeze %dma_wait3A_142 : memref<1x128x4x128xf32, #tpu.memory_space<hbm>> -> memref<128x4x128xf32, #tpu.memory_space<hbm>>
      %dma_wait3A_144 = arith.constant 0 : i32
      %dma_wait3A_145 = arith.constant 0 : i32
      %dma_wait3A_146 = tpu.memref_slice %arg3[%select_n3A, %add3A_64, %dma_wait3A_144, %dma_wait3A_145] : memref<16x2048x4x128xf32, #tpu.memory_space<hbm>> -> memref<1x128x4x128xf32, #tpu.memory_space<hbm>>
      %dma_wait3A_147 = tpu.memref_squeeze %dma_wait3A_146 : memref<1x128x4x128xf32, #tpu.memory_space<hbm>> -> memref<128x4x128xf32, #tpu.memory_space<hbm>>
      tpu.wait_dma2 semaphore(%arg6 : memref<!tpu.dma_semaphore, #tpu.memory_space<semaphore_mem>>) src(%arg4 : memref<128x4x128xf32, #tpu.memory_space<vmem>>) dst(%dma_wait3A_147 : memref<128x4x128xf32, #tpu.memory_space<hbm>>)
      %dma_wait3A_148 = arith.constant 0 : i32
      %dma_wait3A_149 = arith.constant 0 : i32
      %dma_wait3A_150 = tpu.memref_slice %arg3[%select_n3A, %add3A_74, %dma_wait3A_148, %dma_wait3A_149] : memref<16x2048x4x128xf32, #tpu.memory_space<hbm>> -> memref<1x128x4x128xf32, #tpu.memory_space<hbm>>
      %dma_wait3A_151 = tpu.memref_squeeze %dma_wait3A_150 : memref<1x128x4x128xf32, #tpu.memory_space<hbm>> -> memref<128x4x128xf32, #tpu.memory_space<hbm>>
      %dma_wait3A_152 = arith.constant 0 : i32
      %dma_wait3A_153 = arith.constant 0 : i32
      %dma_wait3A_154 = tpu.memref_slice %arg3[%select_n3A, %add3A_74, %dma_wait3A_152, %dma_wait3A_153] : memref<16x2048x4x128xf32, #tpu.memory_space<hbm>> -> memref<1x128x4x128xf32, #tpu.memory_space<hbm>>
      %dma_wait3A_155 = tpu.memref_squeeze %dma_wait3A_154 : memref<1x128x4x128xf32, #tpu.memory_space<hbm>> -> memref<128x4x128xf32, #tpu.memory_space<hbm>>
      tpu.wait_dma2 semaphore(%arg6 : memref<!tpu.dma_semaphore, #tpu.memory_space<semaphore_mem>>) src(%arg4 : memref<128x4x128xf32, #tpu.memory_space<vmem>>) dst(%dma_wait3A_155 : memref<128x4x128xf32, #tpu.memory_space<hbm>>)
      %dma_wait3A_156 = arith.constant 0 : i32
      %dma_wait3A_157 = arith.constant 0 : i32
      %dma_wait3A_158 = tpu.memref_slice %arg3[%select_n3A, %add3A_84, %dma_wait3A_156, %dma_wait3A_157] : memref<16x2048x4x128xf32, #tpu.memory_space<hbm>> -> memref<1x128x4x128xf32, #tpu.memory_space<hbm>>
      %dma_wait3A_159 = tpu.memref_squeeze %dma_wait3A_158 : memref<1x128x4x128xf32, #tpu.memory_space<hbm>> -> memref<128x4x128xf32, #tpu.memory_space<hbm>>
      %dma_wait3A_160 = arith.constant 0 : i32
      %dma_wait3A_161 = arith.constant 0 : i32
      %dma_wait3A_162 = tpu.memref_slice %arg3[%select_n3A, %add3A_84, %dma_wait3A_160, %dma_wait3A_161] : memref<16x2048x4x128xf32, #tpu.memory_space<hbm>> -> memref<1x128x4x128xf32, #tpu.memory_space<hbm>>
      %dma_wait3A_163 = tpu.memref_squeeze %dma_wait3A_162 : memref<1x128x4x128xf32, #tpu.memory_space<hbm>> -> memref<128x4x128xf32, #tpu.memory_space<hbm>>
      tpu.wait_dma2 semaphore(%arg6 : memref<!tpu.dma_semaphore, #tpu.memory_space<semaphore_mem>>) src(%arg4 : memref<128x4x128xf32, #tpu.memory_space<vmem>>) dst(%dma_wait3A_163 : memref<128x4x128xf32, #tpu.memory_space<hbm>>)
      %dma_wait3A_164 = arith.constant 0 : i32
      %dma_wait3A_165 = arith.constant 0 : i32
      %dma_wait3A_166 = tpu.memref_slice %arg3[%select_n3A, %add3A_94, %dma_wait3A_164, %dma_wait3A_165] : memref<16x2048x4x128xf32, #tpu.memory_space<hbm>> -> memref<1x128x4x128xf32, #tpu.memory_space<hbm>>
      %dma_wait3A_167 = tpu.memref_squeeze %dma_wait3A_166 : memref<1x128x4x128xf32, #tpu.memory_space<hbm>> -> memref<128x4x128xf32, #tpu.memory_space<hbm>>
      %dma_wait3A_168 = arith.constant 0 : i32
      %dma_wait3A_169 = arith.constant 0 : i32
      %dma_wait3A_170 = tpu.memref_slice %arg3[%select_n3A, %add3A_94, %dma_wait3A_168, %dma_wait3A_169] : memref<16x2048x4x128xf32, #tpu.memory_space<hbm>> -> memref<1x128x4x128xf32, #tpu.memory_space<hbm>>
      %dma_wait3A_171 = tpu.memref_squeeze %dma_wait3A_170 : memref<1x128x4x128xf32, #tpu.memory_space<hbm>> -> memref<128x4x128xf32, #tpu.memory_space<hbm>>
      tpu.wait_dma2 semaphore(%arg6 : memref<!tpu.dma_semaphore, #tpu.memory_space<semaphore_mem>>) src(%arg4 : memref<128x4x128xf32, #tpu.memory_space<vmem>>) dst(%dma_wait3A_171 : memref<128x4x128xf32, #tpu.memory_space<hbm>>)
      %dma_wait3A_172 = arith.constant 0 : i32
      %dma_wait3A_173 = arith.constant 0 : i32
      %dma_wait3A_174 = tpu.memref_slice %arg3[%select_n3A, %add3A_104, %dma_wait3A_172, %dma_wait3A_173] : memref<16x2048x4x128xf32, #tpu.memory_space<hbm>> -> memref<1x128x4x128xf32, #tpu.memory_space<hbm>>
      %dma_wait3A_175 = tpu.memref_squeeze %dma_wait3A_174 : memref<1x128x4x128xf32, #tpu.memory_space<hbm>> -> memref<128x4x128xf32, #tpu.memory_space<hbm>>
      %dma_wait3A_176 = arith.constant 0 : i32
      %dma_wait3A_177 = arith.constant 0 : i32
      %dma_wait3A_178 = tpu.memref_slice %arg3[%select_n3A, %add3A_104, %dma_wait3A_176, %dma_wait3A_177] : memref<16x2048x4x128xf32, #tpu.memory_space<hbm>> -> memref<1x128x4x128xf32, #tpu.memory_space<hbm>>
      %dma_wait3A_179 = tpu.memref_squeeze %dma_wait3A_178 : memref<1x128x4x128xf32, #tpu.memory_space<hbm>> -> memref<128x4x128xf32, #tpu.memory_space<hbm>>
      tpu.wait_dma2 semaphore(%arg6 : memref<!tpu.dma_semaphore, #tpu.memory_space<semaphore_mem>>) src(%arg4 : memref<128x4x128xf32, #tpu.memory_space<vmem>>) dst(%dma_wait3A_179 : memref<128x4x128xf32, #tpu.memory_space<hbm>>)
      %dma_wait3A_180 = arith.constant 0 : i32
      %dma_wait3A_181 = arith.constant 0 : i32
      %dma_wait3A_182 = tpu.memref_slice %arg3[%select_n3A, %add3A_114, %dma_wait3A_180, %dma_wait3A_181] : memref<16x2048x4x128xf32, #tpu.memory_space<hbm>> -> memref<1x128x4x128xf32, #tpu.memory_space<hbm>>
      %dma_wait3A_183 = tpu.memref_squeeze %dma_wait3A_182 : memref<1x128x4x128xf32, #tpu.memory_space<hbm>> -> memref<128x4x128xf32, #tpu.memory_space<hbm>>
      %dma_wait3A_184 = arith.constant 0 : i32
      %dma_wait3A_185 = arith.constant 0 : i32
      %dma_wait3A_186 = tpu.memref_slice %arg3[%select_n3A, %add3A_114, %dma_wait3A_184, %dma_wait3A_185] : memref<16x2048x4x128xf32, #tpu.memory_space<hbm>> -> memref<1x128x4x128xf32, #tpu.memory_space<hbm>>
      %dma_wait3A_187 = tpu.memref_squeeze %dma_wait3A_186 : memref<1x128x4x128xf32, #tpu.memory_space<hbm>> -> memref<128x4x128xf32, #tpu.memory_space<hbm>>
      tpu.wait_dma2 semaphore(%arg6 : memref<!tpu.dma_semaphore, #tpu.memory_space<semaphore_mem>>) src(%arg4 : memref<128x4x128xf32, #tpu.memory_space<vmem>>) dst(%dma_wait3A_187 : memref<128x4x128xf32, #tpu.memory_space<hbm>>)
      %dma_wait3A_188 = arith.constant 0 : i32
      %dma_wait3A_189 = arith.constant 0 : i32
      %dma_wait3A_190 = tpu.memref_slice %arg3[%select_n3A, %add3A_124, %dma_wait3A_188, %dma_wait3A_189] : memref<16x2048x4x128xf32, #tpu.memory_space<hbm>> -> memref<1x128x4x128xf32, #tpu.memory_space<hbm>>
      %dma_wait3A_191 = tpu.memref_squeeze %dma_wait3A_190 : memref<1x128x4x128xf32, #tpu.memory_space<hbm>> -> memref<128x4x128xf32, #tpu.memory_space<hbm>>
      %dma_wait3A_192 = arith.constant 0 : i32
      %dma_wait3A_193 = arith.constant 0 : i32
      %dma_wait3A_194 = tpu.memref_slice %arg3[%select_n3A, %add3A_124, %dma_wait3A_192, %dma_wait3A_193] : memref<16x2048x4x128xf32, #tpu.memory_space<hbm>> -> memref<1x128x4x128xf32, #tpu.memory_space<hbm>>
      %dma_wait3A_195 = tpu.memref_squeeze %dma_wait3A_194 : memref<1x128x4x128xf32, #tpu.memory_space<hbm>> -> memref<128x4x128xf32, #tpu.memory_space<hbm>>
      tpu.wait_dma2 semaphore(%arg6 : memref<!tpu.dma_semaphore, #tpu.memory_space<semaphore_mem>>) src(%arg4 : memref<128x4x128xf32, #tpu.memory_space<vmem>>) dst(%dma_wait3A_195 : memref<128x4x128xf32, #tpu.memory_space<hbm>>)
      %eq3A_196 = arith.constant 1 : i32
      %eq3A_197 = arith.cmpi eq, %select_n3A_30, %eq3A_196 : i32
      %convert_element_type3A_198 = arith.extui %eq3A_197 : i1 to i32
      %cond3A_199 = arith.constant 0 : i32
      %cond3A_200 = arith.cmpi ne, %convert_element_type3A_198, %cond3A_199 : i32
      scf.if %cond3A_200 {
        "tpu.region"() ({
          %run_scoped3A = tpu.sem_alloc : memref<!tpu.dma_semaphore, #tpu.memory_space<semaphore_mem>>
          %dma_start3A_201 = arith.constant 2047 : i32
          %dma_start3A_202 = arith.constant 0 : i32
          %dma_start3A_203 = arith.constant 0 : i32
          %dma_start3A_204 = tpu.memref_slice %arg2[%select_n3A, %dma_start3A_201, %dma_start3A_202, %dma_start3A_203] : memref<16x2048x4x128xf32, #tpu.memory_space<hbm>> -> memref<1x1x4x128xf32, #tpu.memory_space<hbm>>
          %dma_start3A_205 = tpu.memref_squeeze %dma_start3A_204 : memref<1x1x4x128xf32, #tpu.memory_space<hbm>> -> memref<1x4x128xf32, #tpu.memory_space<hbm>>
          %dma_start3A_206 = arith.constant 2047 : i32
          %dma_start3A_207 = arith.constant 0 : i32
          %dma_start3A_208 = arith.constant 0 : i32
          %dma_start3A_209 = tpu.memref_slice %arg2[%select_n3A, %dma_start3A_206, %dma_start3A_207, %dma_start3A_208] : memref<16x2048x4x128xf32, #tpu.memory_space<hbm>> -> memref<1x1x4x128xf32, #tpu.memory_space<hbm>>
          %dma_start3A_210 = tpu.memref_squeeze %dma_start3A_209 : memref<1x1x4x128xf32, #tpu.memory_space<hbm>> -> memref<1x4x128xf32, #tpu.memory_space<hbm>>
          tpu.enqueue_dma source(%dma_start3A_210 : memref<1x4x128xf32, #tpu.memory_space<hbm>>) target(%arg5 : memref<1x4x128xf32, #tpu.memory_space<vmem>>) target_semaphore(%run_scoped3A : memref<!tpu.dma_semaphore, #tpu.memory_space<semaphore_mem>>)
          %dma_wait3A_211 = arith.constant 2047 : i32
          %dma_wait3A_212 = arith.constant 0 : i32
          %dma_wait3A_213 = arith.constant 0 : i32
          %dma_wait3A_214 = tpu.memref_slice %arg2[%select_n3A, %dma_wait3A_211, %dma_wait3A_212, %dma_wait3A_213] : memref<16x2048x4x128xf32, #tpu.memory_space<hbm>> -> memref<1x1x4x128xf32, #tpu.memory_space<hbm>>
          %dma_wait3A_215 = tpu.memref_squeeze %dma_wait3A_214 : memref<1x1x4x128xf32, #tpu.memory_space<hbm>> -> memref<1x4x128xf32, #tpu.memory_space<hbm>>
          %dma_wait3A_216 = arith.constant 2047 : i32
          %dma_wait3A_217 = arith.constant 0 : i32
          %dma_wait3A_218 = arith.constant 0 : i32
          %dma_wait3A_219 = tpu.memref_slice %arg2[%select_n3A, %dma_wait3A_216, %dma_wait3A_217, %dma_wait3A_218] : memref<16x2048x4x128xf32, #tpu.memory_space<hbm>> -> memref<1x1x4x128xf32, #tpu.memory_space<hbm>>
          %dma_wait3A_220 = tpu.memref_squeeze %dma_wait3A_219 : memref<1x1x4x128xf32, #tpu.memory_space<hbm>> -> memref<1x4x128xf32, #tpu.memory_space<hbm>>
          tpu.wait_dma2 semaphore(%run_scoped3A : memref<!tpu.dma_semaphore, #tpu.memory_space<semaphore_mem>>) src(%dma_wait3A_220 : memref<1x4x128xf32, #tpu.memory_space<hbm>>) dst(%arg5 : memref<1x4x128xf32, #tpu.memory_space<vmem>>)
          tpu.yield
        }) : () -> ()
        "tpu.region"() ({
          %run_scoped3A = tpu.sem_alloc : memref<!tpu.dma_semaphore, #tpu.memory_space<semaphore_mem>>
          %dma_start3A_201 = arith.constant 2047 : i32
          %dma_start3A_202 = arith.constant 0 : i32
          %dma_start3A_203 = arith.constant 0 : i32
          %dma_start3A_204 = tpu.memref_slice %arg3[%select_n3A, %dma_start3A_201, %dma_start3A_202, %dma_start3A_203] : memref<16x2048x4x128xf32, #tpu.memory_space<hbm>> -> memref<1x1x4x128xf32, #tpu.memory_space<hbm>>
          %dma_start3A_205 = tpu.memref_squeeze %dma_start3A_204 : memref<1x1x4x128xf32, #tpu.memory_space<hbm>> -> memref<1x4x128xf32, #tpu.memory_space<hbm>>
          %dma_start3A_206 = arith.constant 2047 : i32
          %dma_start3A_207 = arith.constant 0 : i32
          %dma_start3A_208 = arith.constant 0 : i32
          %dma_start3A_209 = tpu.memref_slice %arg3[%select_n3A, %dma_start3A_206, %dma_start3A_207, %dma_start3A_208] : memref<16x2048x4x128xf32, #tpu.memory_space<hbm>> -> memref<1x1x4x128xf32, #tpu.memory_space<hbm>>
          %dma_start3A_210 = tpu.memref_squeeze %dma_start3A_209 : memref<1x1x4x128xf32, #tpu.memory_space<hbm>> -> memref<1x4x128xf32, #tpu.memory_space<hbm>>
          tpu.enqueue_dma source(%arg5 : memref<1x4x128xf32, #tpu.memory_space<vmem>>) target(%dma_start3A_210 : memref<1x4x128xf32, #tpu.memory_space<hbm>>) target_semaphore(%run_scoped3A : memref<!tpu.dma_semaphore, #tpu.memory_space<semaphore_mem>>)
          %dma_wait3A_211 = arith.constant 2047 : i32
          %dma_wait3A_212 = arith.constant 0 : i32
          %dma_wait3A_213 = arith.constant 0 : i32
          %dma_wait3A_214 = tpu.memref_slice %arg3[%select_n3A, %dma_wait3A_211, %dma_wait3A_212, %dma_wait3A_213] : memref<16x2048x4x128xf32, #tpu.memory_space<hbm>> -> memref<1x1x4x128xf32, #tpu.memory_space<hbm>>
          %dma_wait3A_215 = tpu.memref_squeeze %dma_wait3A_214 : memref<1x1x4x128xf32, #tpu.memory_space<hbm>> -> memref<1x4x128xf32, #tpu.memory_space<hbm>>
          %dma_wait3A_216 = arith.constant 2047 : i32
          %dma_wait3A_217 = arith.constant 0 : i32
          %dma_wait3A_218 = arith.constant 0 : i32
          %dma_wait3A_219 = tpu.memref_slice %arg3[%select_n3A, %dma_wait3A_216, %dma_wait3A_217, %dma_wait3A_218] : memref<16x2048x4x128xf32, #tpu.memory_space<hbm>> -> memref<1x1x4x128xf32, #tpu.memory_space<hbm>>
          %dma_wait3A_220 = tpu.memref_squeeze %dma_wait3A_219 : memref<1x1x4x128xf32, #tpu.memory_space<hbm>> -> memref<1x4x128xf32, #tpu.memory_space<hbm>>
          tpu.wait_dma2 semaphore(%run_scoped3A : memref<!tpu.dma_semaphore, #tpu.memory_space<semaphore_mem>>) src(%arg5 : memref<1x4x128xf32, #tpu.memory_space<vmem>>) dst(%dma_wait3A_220 : memref<1x4x128xf32, #tpu.memory_space<hbm>>)
          tpu.yield
        }) : () -> ()
      } else {
      }
    } else {
    }
    return
  }
}

</mosaic_0001>

<sc_bundles>
// kernel: _run.3.cloned.1.call-start
scs
__scs_entry_jumppad:
0x0: {  	(pc) =	sbr.rel $0x88, $3  }
0x1: {  	(tag) =	ssettag $0x0;
	lr =	simm.s32 $0x1  }
0x2: {  	[smem:$0x3FA0] =	sst lr;
	_ =	strace $0xD0000000  }
0x3: {  	_ = 	snop  }
0x4: {  	_ = 	snop  }
0x5: {  	_ = 	snop  }
0x6: {  	_ = 	snop  }
0x7: {  	_ = 	snop  }
__scs_overlays_trampoline_lowered:
0x8: {  	[smem:$0x3FAF] =	sst s0  }
0x9: {  	[smem:$0x3FB0] =	sst s1  }
0xa: {  	[smem:$0x3FB1] =	sst s2  }
0xb: {  	[smem:$0x3FB2] =	sst s3  }
0xc: {  	[smem:$0x3FB3] =	sst s4  }
0xd: {  	[smem:$0x3FB4] =	sst s5  }
0xe: {  	[smem:$0x3FB5] =	sst s6  }
0xf: {  	[smem:$0x3FB6] =	sst s7  }
0x10: {  	[smem:$0x3FB7] =	sst s8  }
0x11: {  	[smem:$0x3FB8] =	sst s9;
	s0 =	simm.s32 @!p0 $0x0  }
0x12: {  	s1 =	sld [smem:$0x3F9E];
	s0 =	simm.s32 @p0 $0x1  }
0x13: {  	[smem:$0x3FB9] =	sst s0;
	s0 =	simm.s32 @!p1 $0x0  }
0x14: {  	s2 =	sld [smem:$0x3F9D];
	s0 =	simm.s32 @p1 $0x1  }
0x15: {  	[smem:$0x3FBA] =	sst s0;
	s0 =	simm.s32 @!p2 $0x0  }
0x16: {  	s3 =	sld [smem:$0x3FDB];
	s0 =	simm.s32 @p2 $0x1  }
0x17: {  	s4 =	simm.s32 $0x1BF5;
	[smem:$0x3FBC] =	sst s0  }
0x18: {  	s0 =	sld [smem:$0x3F9F];
	_ =	swait.ge [sflag:s4], $0x0  }
0x19: {  	s7 =	sld [smem:$0x3FA0]  }
0x1a: {  	s8 =	sadd.s32 $0xFFFFE003, lr  }
0x1b: {  	s9 =	sadd.s32 $0xFFFFFEF7, lr;
	s5 =	simm.s32 $0xFFFFFFFF;
	p2 =	slt.u32 s8, $0xFFFFF086  }
0x1c: {  	p1 =	slt.u32 s9, $0xF7A;
	s5 =	simm.s32 @!p2 $0x0  }
0x1d: {  	s5 =	simm.s32 @p1 $0x1;
	p0 =	seq.s32 s7, s2  }
0x1e: {  	s7 =	smul.u32 @!p0 $0xF7A, s2;
	p2 =	seq.s32 @!p0 s5, $0x0  }
0x1f: {  	s9 =	smul.u32 $0xF7A, s1;
	s8 =	simm.s32 @!p0 $0x1BF5;
	p2 =	por !p2, p0  }
0x20: {  	[sflag:s8] =	ssyncset.s32 @!p0 $0xFFFFF086;
	s6 =	sadd.s32 @!p0 s3, s7;
	s7 =	simm.s32 @!p0 $0x108  }
0x21: {  	s3 =	sadd.s32 s3, s9;
	s6 =	sadd.s32 @!p0 $0x88, s6;
	s7 =	simm.s32 @p2 $0x1082  }
0x22: {  	[simem:s7], [sflag:s8] =	dma.local @!p0 [hbm:s6], $0xF7A  }
0x23: {  	s9 =	sor.u32 $0xD0000000, s2;
	s6 =	simm.s32 $0x108;
	_ =	swait.ge @!p0 [sflag:s8], $0x0  }
0x24: {  	s3 =	sadd.s32 $0x88, s3;
	s6 =	simm.s32 @!p1 $0x1082;
	[sflag:s4] =	ssyncset.s32 $0xFFFFF086  }
0x25: {  	[simem:s6], [sflag:s4] =	dma.local [hbm:s3], $0xF7A  }
0x26: {  	[smem:$0x3FA0] =	sst s1;
	(tag) =	ssettag s2;
	_ =	strace s9  }
0x27: {  	s1 =	sld [smem:$0x3FB0]  }
0x28: {  	s2 =	sld [smem:$0x3FB1]  }
0x29: {  	s4 =	sld [smem:$0x3FB3]  }
0x2a: {  	p0 =	seq.s32 s5, $0x0;
	s5 =	sld [smem:$0x3FB4]  }
0x2b: {  	s6 =	sld [smem:$0x3FB5]  }
0x2c: {  	s7 =	sld [smem:$0x3FB6]  }
0x2d: {  	s3 =	simm.s32 $0x108;
	s8 =	sld [smem:$0x3FB7]  }
0x2e: {  	s3 =	simm.s32 @!p0 $0x1082;
	s9 =	sld [smem:$0x3FB8]  }
0x2f: {  	lr =	sadd.s32 s0, s3;
	s0 =	sld [smem:$0x3FAF]  }
0x30: {  	s3 =	sld [smem:$0x3FB2]  }
0x31: {  	[smem:$0x3FBB] =	sst s10  }
0x32: {  	s10 =	sld [smem:$0x3FB9];
	_ =	sdelay $0x3  }
0x33: {  	p0 =	seq.s32 s10, $0x1;
	s10 =	sld [smem:$0x3FBB];
	_ =	sdelay $0x3  }
0x34: {  	[smem:$0x3FBB] =	sst s10  }
0x35: {  	s10 =	sld [smem:$0x3FBA];
	_ =	sdelay $0x3  }
0x36: {  	p1 =	seq.s32 s10, $0x1;
	s10 =	sld [smem:$0x3FBB];
	_ =	sdelay $0x3  }
0x37: {  	[smem:$0x3FBB] =	sst s10  }
0x38: {  	s10 =	sld [smem:$0x3FBC]  }
0x39: {  	_ = 	snop;
	(pc) =	sbr.ind lr, $3  }
0x3a: {  	_ = 	snop  }
0x3b: {  	_ = 	snop  }
0x3c: {  	p2 =	seq.s32 s10, $0x1;
	s10 =	sld [smem:$0x3FBB]  }
0x3d: {  	_ =	shalt  }
0x3e: {  	_ =	shalt  }
0x3f: {  	_ =	shalt  }
0x40: {  	_ =	shalt  }
0x41: {  	_ =	shalt  }
0x42: {  	_ =	shalt  }
0x43: {  	_ =	shalt  }
0x44: {  	_ =	shalt  }
0x45: {  	_ =	shalt  }
0x46: {  	_ =	shalt  }
0x47: {  	_ =	shalt  }
0x48: {  	_ =	shalt  }
0x49: {  	_ =	shalt  }
0x4a: {  	_ =	shalt  }
0x4b: {  	_ =	shalt  }
0x4c: {  	_ =	shalt  }
0x4d: {  	_ =	shalt  }
0x4e: {  	_ =	shalt  }
0x4f: {  	_ =	shalt  }
0x50: {  	_ =	shalt  }
0x51: {  	_ =	shalt  }
0x52: {  	_ =	shalt  }
0x53: {  	_ =	shalt  }
0x54: {  	_ =	shalt  }
0x55: {  	_ =	shalt  }
0x56: {  	_ =	shalt  }
0x57: {  	_ =	shalt  }
0x58: {  	_ =	shalt  }
0x59: {  	_ =	shalt  }
0x5a: {  	_ =	shalt  }
0x5b: {  	_ =	shalt  }
0x5c: {  	_ =	shalt  }
0x5d: {  	_ =	shalt  }
0x5e: {  	_ =	shalt  }
0x5f: {  	_ =	shalt  }
0x60: {  	_ =	shalt  }
0x61: {  	_ =	shalt  }
0x62: {  	_ =	shalt  }
0x63: {  	_ =	shalt  }
0x64: {  	_ =	shalt  }
0x65: {  	_ =	shalt  }
0x66: {  	_ =	shalt  }
0x67: {  	_ =	shalt  }
0x68: {  	_ =	shalt  }
0x69: {  	_ =	shalt  }
0x6a: {  	_ =	shalt  }
0x6b: {  	_ =	shalt  }
0x6c: {  	_ =	shalt  }
0x6d: {  	_ =	shalt  }
0x6e: {  	_ =	shalt  }
0x6f: {  	_ =	shalt  }
0x70: {  	_ =	shalt  }
0x71: {  	_ =	shalt  }
0x72: {  	_ =	shalt  }
0x73: {  	_ =	shalt  }
0x74: {  	_ =	shalt  }
0x75: {  	_ =	shalt  }
0x76: {  	_ =	shalt  }
0x77: {  	_ =	shalt  }
0x78: {  	_ =	shalt  }
0x79: {  	_ =	shalt  }
0x7a: {  	_ =	shalt  }
0x7b: {  	_ =	shalt  }
0x7c: {  	_ =	shalt  }
0x7d: {  	_ =	shalt  }
0x7e: {  	_ =	shalt  }
0x7f: {  	_ =	shalt  }
0x80: {  	_ =	shalt  }
0x81: {  	_ =	shalt  }
0x82: {  	_ =	shalt  }
0x83: {  	_ =	shalt  }
0x84: {  	_ =	shalt  }
0x85: {  	_ =	shalt  }
0x86: {  	_ =	shalt  }
0x87: {  	_ =	shalt  }
.Lfunc_end0:
.L_simem_size_0:
called_computation_lowered:
.L_overlay_start_0:
0x88: {  	s2 =	sld [smem:$0x3FD9]  }
0x89: {  	s3 =	sld [smem:$0x3FFE];
	_ =	sdelay $0x1  }
0x8a: {  	s1 =	srdreg.scid  }
0x8b: {  	s0 =	sand.u32 $0x1, s1  }
0x8c: {  	s18 =	sshll.u32 s0, $0xA;
	s2 =	sadd.s32 s3, s2  }
0x8d: {  	s2 =	sadd.s32 s2, s18  }
0x8e: {  	[smem:$0x3FC7] =	sst s2  }
0x8f: {  	_ = 	snop  }
0x90: {  	s2 =	sld [smem:$0x3FC9]  }
0x91: {  	s19 =	sld [smem:$0x3FD0];
	(tm) =	ssettm $0x1  }
0x92: {  	s4 =	sld [smem:$0x3FFB];
	_ =	sdelay $0x3  }
0x93: {  	_ =	strace s4  }
0x94: {  	s4 =	sld [smem:$0x3FFC];
	_ =	sdelay $0x3  }
0x95: {  	_ =	strace s4  }
0x96: {  	s4 =	sld [smem:$0x3FFD];
	_ =	sdelay $0x3  }
0x97: {  	_ =	strace s4  }
0x98: {  	_ =	strace $0x8FFFFFFF  }
0x99: {  	s20 =	sld [smem:$0x3FDB];
	_ =	sdelay $0x1  }
0x9a: {  	s5 =	simm.s32 $_scs_section_size  }
0x9b: {  	s6 =	simm.s32 $_size__tile_overlayer_lowered;
	s7 =	simm.s32 $_tile_overlayer_lowered  }
0x9c: {  	s23 =	simm.s32 $0x1BFF;
	s22 =	sshll.u32 s7, $0x1;
	s4 =	sadd.s32 s5, s20  }
0x9d: {  	s8 =	simm.s32 $0x0;
	s21 =	sshll.u32 s6, $0x1;
	s6 =	sadd.s32 s22, s4  }
0x9e: {  	[timem:s8], [sflag:s23] =	dma.local [hbm:s6], s21  }
0x9f: {  	_ =	swait.ge [sflag:s23], s21  }
0xa0: {  	s5 =	ssub.s32 $0x0, s21;
	[sflag:s23] =	ssyncset.done $0x0  }
0xa1: {  	[sflag:s23] =	ssyncadd.s32 s5;
	_ =	sdelay $0x1  }
0xa2: {  	s24 =	simm.s32 $0x1B8B  }
0xa3: {  	_ =	swait.ge [sflag:s24], $0x1  }
0xa4: {  	[sflag:s24] =	ssyncset.done $0x0  }
0xa5: {  	s25 =	simm.s32 $0x1B8E;
	[sflag:s24] =	ssyncadd.s32 $0xFFFFFFFF  }
0xa6: {  	s26 =	simm.s32 $execute0_lowered;
	[smem:$0x3FD2] =	sst s25  }
0xa7: {  	s5 =	sshll.u32 s26, $0x1;
	_ =	strace $0x80000046;
	[dreg:$0x1] =	wrdreg $0xFFFFFFFF  }
0xa8: {  	s28 =	simm.s32 $_size_execute0_lowered;
	s4 =	sadd.s32 s4, s5;
	[dreg:$0x0] =	wrdreg $0x0  }
0xa9: {  	s5 =	sshll.u32 s28, $0x1;
	[dreg:$0x2] =	wrdreg s4  }
0xaa: {  	[dreg:$0x3] =	wrdreg s5  }
0xab: {  	[dreg:$0x4] =	wrdreg $0xC0  }
0xac: {  	_ =	task [dreg:s8], $0x5FFFF  }
0xad: {  	[dreg:$0x1] =	wrdreg $0xFFFFFFFF  }
0xae: {  	[dreg:$0x0] =	wrdreg $0x60  }
0xaf: {  	[dreg:$0x2] =	wrdreg s2  }
0xb0: {  	[dreg:$0x3] =	wrdreg s19  }
0xb1: {  	[dreg:$0x4] =	wrdreg $0x9  }
0xb2: {  	_ =	task.clear_ibuf [dreg:s8], $0x5FFFF;
	_ =	strace $0x90000046  }
0xb3: {  	s29 =	simm.s32 $0x9;
	_ =	strace $0x80000048  }
0xb4: {  	_ =	swait.ge [sflag:s29], $0x1  }
0xb5: {  	[sflag:s29] =	ssyncadd.s32 $0xFFFFFFFF  }
0xb6: {  	_ =	strace $0x90000048  }
0xb7: {  	_ =	sfence  }
0xb8: {  	s30 =	sld [smem:$0x0];
	_ =	sdelay $0x2  }
0xb9: {  	s31 =	sshll.u32 s1, $0xD;
	s1 =	sshrl.u32 s1, $0x2  }
0xba: {  	s3 =	sand.u32 $0x4000, s31;
	s1 =	sadd.s32 s1, s30  }
0xbb: {  	s0 =	sor.u32 s3, s0;
	s1 =	sshll.u32 s1, $0x11  }
0xbc: {  	s0 =	sor.u32 s1, s0  }
0xbd: {  	s0 =	sadd.s32 $0x8F2B, s0  }
0xbe: {  	[sflag:s0] =	ssyncadd.remote.s32 $0x1  }
0xbf: {  	_ =	sfence.sel $0xFFFF  }
0xc0: {  	[dreg:$0x0] =	wrdreg $0xFFFFFFFF;
	(pc) =	sbr.abs _section_cstart, $3  }
0xc1: {  	[dreg:$0x1] =	wrdreg $0xFFFFFFFF  }
0xc2: {  	_ =	task.clear_ibuf [dreg:s8], $0x2FFFF;
	_ =	strace $0x9FFFFFFF  }
0xc3: {  	(tm) =	ssettm $0x7FFFFFFF  }
tec
execute0_lowered:
.L_overlay_start_1:
0x0: {  	(tag) =	ssettag $0x1  }
0x1: {  	s1 =	srdreg.scid  }
0x2: {  	s0 =	stileid.u32;
	s23 =	sand.u32 $0x1, s1  }
0x3: {  	s20 =	rddreg [dreg:$0x0];
	s1 =	sor.u32 s23, s0  }
0x4: {  	s11 =	rddreg [dreg:$0x1];
	p1 =	seq.s32 s23, $0x1;
	p0 =	seq.s32 s1, $0x0  }
0x5: {  	s25 =	simm.s32 $0x33;
	s3 =	ssub.s32 $0x2, s23;
	p0 =	por !p0, !p1  }
0x6: {  	s1 =	simm.s32 $0x1;
	s4 =	sshrl.u32 s3, $0x1;
	p0 =	por !p0, !p0  }
0x7: {  	s2 =	sshll.u32 s23, $0x13;
	s22 =	ssub.s32 s3, s4;
	s1 =	simm.s32 @!p0 $0x0  }
0x8: {  	p1 =	seq.s32 s23, $0x0;
	s23 =	simm.s32 $0x0;
	s10 =	ssub.s32 s0, s1  }
0x9: {  	s22 =	smax.u32 s22, $0x1;
	s1 =	rddreg [dreg:$0x2];
	s12 =	sshll.u32 s10, $0x14  }
0xa: {  	s24 =	sadd.s32 $0xFFFFFFFE, s10;
	s5 =	sor.u32 s2, s12;
	s2 =	simm.s32 $0x0  }
0xb: {  	s12 =	sshrl.u32 s12, $0x3;
	s10 =	sand.u32 $0xFF, s24;
	p5 =	slt.u32 s24, $0x6  }
0xc: {  	s13 =	sshrl.u32 s5, $0x3;
	s25 =	sshrl.u32 s25, s10;
	s12 =	sor.u32 $0x1FFC0, s12  }
0xd: {  	[smem:$0x7FF] =	sst s2;
	s3 =	sadd.s32 s11, s13;
	s14 =	sor.u32 $0x2000, s13  }
0xe: {  	s15 =	sor.u32 $0x4000, s13;
	s16 =	sor.u32 $0x6000, s13;
	s17 =	sor.u32 $0x8000, s13  }
0xf: {  	s18 =	sor.u32 $0xA000, s13;
	s19 =	sor.u32 $0xC000, s13;
	s21 =	sor.u32 $0xE000, s13  }
0x10: {  	s13 =	sadd.s32 s20, s13;
	s31 =	sand.u32 $0x1, s25;
	_ =	strace $0x80000047  }
0x11: {  	s4 =	sadd.s32 s11, s14;
	s5 =	sadd.s32 s11, s15;
	s6 =	sadd.s32 s11, s16  }
0x12: {  	s7 =	sadd.s32 s11, s17;
	s8 =	sadd.s32 s11, s18;
	s9 =	sadd.s32 s11, s19  }
.Ltmp0:
0x13: {  	s10 =	sadd.s32 s11, s21;
	s11 =	sadd.s32 s11, s12;
	(pc) =	sbr.rel .LBB2_1-.Ltmp0, $4  }
0x14: {  	s12 =	sadd.s32 s20, s12;
	s14 =	sadd.s32 s20, s14;
	s15 =	sadd.s32 s20, s15  }
0x15: {  	s16 =	sadd.s32 s20, s16;
	s17 =	sadd.s32 s20, s17;
	p6 =	seq.s32 s31, $0x1  }
0x16: {  	s18 =	sadd.s32 s20, s18;
	s19 =	sadd.s32 s20, s19;
	p0 =	por !p5, !p6  }
0x17: {  	v0 =	vimm.f32 $0.0e+00;
	s20 =	sadd.s32 s20, s21;
	s21 =	simm.s32 $0x1;
	p0 =	por !p0, !p0  }
.LBB2_5:
0x18: {  	s24 =	sshll.u32 s0, $0x6  }
0x19: {  	s24 =	sor.u32 $0x1C01, s24  }
0x1a: {  	[hbm:s3], [sflag:s24] =	dma.local [hbm:s13], $0x2000  }
0x1b: {  	[hbm:s4], [sflag:s24] =	dma.local [hbm:s14], $0x2000  }
0x1c: {  	[hbm:s5], [sflag:s24] =	dma.local [hbm:s15], $0x2000  }
0x1d: {  	[hbm:s6], [sflag:s24] =	dma.local [hbm:s16], $0x2000  }
0x1e: {  	[hbm:s7], [sflag:s24] =	dma.local [hbm:s17], $0x2000  }
0x1f: {  	[hbm:s8], [sflag:s24] =	dma.local [hbm:s18], $0x2000  }
0x20: {  	[hbm:s9], [sflag:s24] =	dma.local [hbm:s19], $0x2000  }
0x21: {  	[hbm:s10], [sflag:s24] =	dma.local [hbm:s20], $0x2000  }
0x22: {  	_ =	swait.ge [sflag:s21], $0x2000  }
0x23: {  	[sflag:s21] =	ssyncset.done $0x0  }
0x24: {  	[sflag:s21] =	ssyncadd.s32 $0xFFFFE000  }
0x25: {  	_ =	swait.ge [sflag:s21], $0x2000  }
0x26: {  	[sflag:s21] =	ssyncset.done $0x0  }
0x27: {  	[sflag:s21] =	ssyncadd.s32 $0xFFFFE000  }
0x28: {  	_ =	swait.ge [sflag:s21], $0x2000  }
0x29: {  	[sflag:s21] =	ssyncset.done $0x0  }
0x2a: {  	[sflag:s21] =	ssyncadd.s32 $0xFFFFE000  }
0x2b: {  	_ =	swait.ge [sflag:s21], $0x2000  }
0x2c: {  	[sflag:s21] =	ssyncset.done $0x0  }
0x2d: {  	[sflag:s21] =	ssyncadd.s32 $0xFFFFE000  }
0x2e: {  	_ =	swait.ge [sflag:s21], $0x2000  }
0x2f: {  	[sflag:s21] =	ssyncset.done $0x0  }
0x30: {  	[sflag:s21] =	ssyncadd.s32 $0xFFFFE000  }
0x31: {  	_ =	swait.ge [sflag:s21], $0x2000  }
0x32: {  	[sflag:s21] =	ssyncset.done $0x0  }
0x33: {  	[sflag:s21] =	ssyncadd.s32 $0xFFFFE000  }
0x34: {  	_ =	swait.ge [sflag:s21], $0x2000  }
0x35: {  	[sflag:s21] =	ssyncset.done $0x0  }
0x36: {  	[sflag:s21] =	ssyncadd.s32 $0xFFFFE000  }
0x37: {  	_ =	swait.ge [sflag:s21], $0x2000  }
0x38: {  	[sflag:s21] =	ssyncset.done $0x0  }
0x39: {  	[sflag:s21] =	ssyncadd.s32 $0xFFFFE000  }
.LBB2_6:
0x3a: {  	s23 =	sadd.s32 $0x1, s23  }
0x3b: {  	p2 =	sne.s32 s23, s22  }
.Ltmp1:
0x3c: {  	_ = 	snop;
	(pc) =	sbr.rel @!p2 .LBB2_7-.Ltmp1, $1  }
0x3d: {  	_ =	sdelay $0x3  }
.LBB2_1:
.Ltmp2:
0x3e: {  	(pc) =	sbr.rel @!p0 .LBB2_5-.Ltmp2, $1  }
0x3f: {  	_ =	sdelay $0x3  }
0x40: {  	s24 =	sshra.s32 s2, $0x2;
	s25 =	sadd.s32 $0x800, s2  }
.LBB2_3:
0x41: {  	p2 =	sne.s32 s25, $0x3F800;
	[tilespmem:s24+$0x1F0] =	vst v0  }
0x42: {  	[tilespmem:s24+$0x0] =	vst v0  }
0x43: {  	[tilespmem:s24+$0x10] =	vst v0  }
0x44: {  	[tilespmem:s24+$0x20] =	vst v0  }
0x45: {  	[tilespmem:s24+$0x30] =	vst v0  }
0x46: {  	[tilespmem:s24+$0x40] =	vst v0  }
0x47: {  	[tilespmem:s24+$0x50] =	vst v0  }
0x48: {  	[tilespmem:s24+$0x60] =	vst v0  }
0x49: {  	[tilespmem:s24+$0x70] =	vst v0  }
0x4a: {  	[tilespmem:s24+$0x80] =	vst v0  }
0x4b: {  	[tilespmem:s24+$0x90] =	vst v0  }
0x4c: {  	[tilespmem:s24+$0xA0] =	vst v0  }
0x4d: {  	[tilespmem:s24+$0xB0] =	vst v0  }
0x4e: {  	[tilespmem:s24+$0xC0] =	vst v0  }
0x4f: {  	[tilespmem:s24+$0xD0] =	vst v0  }
0x50: {  	[tilespmem:s24+$0xE0] =	vst v0  }
0x51: {  	[tilespmem:s24+$0xF0] =	vst v0  }
0x52: {  	[tilespmem:s24+$0x100] =	vst v0  }
0x53: {  	[tilespmem:s24+$0x110] =	vst v0  }
0x54: {  	[tilespmem:s24+$0x120] =	vst v0  }
0x55: {  	[tilespmem:s24+$0x130] =	vst v0  }
0x56: {  	[tilespmem:s24+$0x140] =	vst v0  }
0x57: {  	[tilespmem:s24+$0x150] =	vst v0  }
0x58: {  	[tilespmem:s24+$0x160] =	vst v0  }
0x59: {  	[tilespmem:s24+$0x170] =	vst v0  }
0x5a: {  	[tilespmem:s24+$0x180] =	vst v0  }
0x5b: {  	[tilespmem:s24+$0x190] =	vst v0  }
.Ltmp3:
0x5c: {  	[tilespmem:s24+$0x1A0] =	vst v0;
	(pc) =	sbr.rel @p2 .LBB2_3-.Ltmp3, $4  }
0x5d: {  	[tilespmem:s24+$0x1B0] =	vst v0  }
0x5e: {  	[tilespmem:s24+$0x1C0] =	vst v0  }
0x5f: {  	[tilespmem:s24+$0x1D0] =	vst v0  }
0x60: {  	[tilespmem:s24+$0x1E0] =	vst v0;
	s24 =	sshra.s32 s25, $0x2;
	s25 =	sadd.s32 $0x800, s25  }
0x61: {  	[tilespmem:s24+$0x1F0] =	vst v0  }
0x62: {  	[tilespmem:s24+$0x0] =	vst v0  }
0x63: {  	[tilespmem:s24+$0x10] =	vst v0  }
0x64: {  	[tilespmem:s24+$0x20] =	vst v0  }
0x65: {  	[tilespmem:s24+$0x30] =	vst v0  }
0x66: {  	[tilespmem:s24+$0x40] =	vst v0  }
0x67: {  	[tilespmem:s24+$0x50] =	vst v0  }
0x68: {  	[tilespmem:s24+$0x60] =	vst v0  }
0x69: {  	[tilespmem:s24+$0x70] =	vst v0  }
0x6a: {  	[tilespmem:s24+$0x80] =	vst v0  }
0x6b: {  	[tilespmem:s24+$0x90] =	vst v0  }
0x6c: {  	[tilespmem:s24+$0xA0] =	vst v0  }
0x6d: {  	[tilespmem:s24+$0xB0] =	vst v0  }
0x6e: {  	[tilespmem:s24+$0xC0] =	vst v0  }
0x6f: {  	[tilespmem:s24+$0xD0] =	vst v0  }
0x70: {  	[tilespmem:s24+$0xE0] =	vst v0  }
0x71: {  	[tilespmem:s24+$0xF0] =	vst v0  }
0x72: {  	[tilespmem:s24+$0x100] =	vst v0  }
0x73: {  	[tilespmem:s24+$0x110] =	vst v0  }
0x74: {  	[tilespmem:s24+$0x120] =	vst v0  }
0x75: {  	[tilespmem:s24+$0x130] =	vst v0  }
0x76: {  	[tilespmem:s24+$0x140] =	vst v0  }
0x77: {  	[tilespmem:s24+$0x150] =	vst v0  }
0x78: {  	[tilespmem:s24+$0x160] =	vst v0  }
0x79: {  	[tilespmem:s24+$0x170] =	vst v0  }
0x7a: {  	[tilespmem:s24+$0x180] =	vst v0  }
0x7b: {  	[tilespmem:s24+$0x190] =	vst v0  }
0x7c: {  	[tilespmem:s24+$0x1A0] =	vst v0  }
0x7d: {  	[tilespmem:s24+$0x1B0] =	vst v0  }
0x7e: {  	[tilespmem:s24+$0x1C0] =	vst v0  }
0x7f: {  	[tilespmem:s24+$0x1D0] =	vst v0  }
0x80: {  	[tilespmem:s24+$0x1E0] =	vst v0  }
0x81: {  	[hbm4b:s3+s2] =	stream.linear.scatter [tilespmem:s2], [sflag:$0x1], $0x10000, $0x38;
	[tilespmem:$0x10200] =	vst v63  }
0x82: {  	_ = 	snop  }
0x83: {  	[hbm4b:s4+s2] =	stream.linear.scatter [tilespmem:s2], [sflag:$0x1], $0x10000, $0x38;
	[tilespmem:$0x10200] =	vst v63  }
0x84: {  	_ = 	snop  }
0x85: {  	[hbm4b:s5+s2] =	stream.linear.scatter [tilespmem:s2], [sflag:$0x1], $0x10000, $0x38;
	[tilespmem:$0x10200] =	vst v63  }
0x86: {  	_ = 	snop  }
0x87: {  	[hbm4b:s6+s2] =	stream.linear.scatter [tilespmem:s2], [sflag:$0x1], $0x10000, $0x38;
	[tilespmem:$0x10200] =	vst v63  }
0x88: {  	_ = 	snop  }
0x89: {  	[hbm4b:s7+s2] =	stream.linear.scatter [tilespmem:s2], [sflag:$0x1], $0x10000, $0x38;
	[tilespmem:$0x10200] =	vst v63  }
0x8a: {  	_ = 	snop  }
0x8b: {  	[hbm4b:s8+s2] =	stream.linear.scatter [tilespmem:s2], [sflag:$0x1], $0x10000, $0x38;
	[tilespmem:$0x10200] =	vst v63  }
0x8c: {  	_ = 	snop  }
0x8d: {  	[hbm4b:s9+s2] =	stream.linear.scatter [tilespmem:s2], [sflag:$0x1], $0x10000, $0x38;
	[tilespmem:$0x10200] =	vst v63  }
0x8e: {  	_ = 	snop  }
0x8f: {  	[hbm4b:s10+s2] =	stream.linear.scatter [tilespmem:s2], [sflag:$0x1], $0x10000, $0x38;
	[tilespmem:$0x10200] =	vst v63  }
0x90: {  	_ =	swait.ge [sflag:s21], $0x10000  }
0x91: {  	[sflag:s21] =	ssyncset.done $0x0  }
0x92: {  	[sflag:s21] =	ssyncadd.s32 $0xFFFF0000  }
0x93: {  	_ =	swait.ge [sflag:s21], $0x10000  }
0x94: {  	[sflag:s21] =	ssyncset.done $0x0  }
0x95: {  	[sflag:s21] =	ssyncadd.s32 $0xFFFF0000  }
0x96: {  	_ =	swait.ge [sflag:s21], $0x10000  }
0x97: {  	[sflag:s21] =	ssyncset.done $0x0  }
0x98: {  	[sflag:s21] =	ssyncadd.s32 $0xFFFF0000  }
0x99: {  	_ =	swait.ge [sflag:s21], $0x10000  }
0x9a: {  	[sflag:s21] =	ssyncset.done $0x0  }
0x9b: {  	[sflag:s21] =	ssyncadd.s32 $0xFFFF0000  }
0x9c: {  	_ =	swait.ge [sflag:s21], $0x10000  }
0x9d: {  	[sflag:s21] =	ssyncset.done $0x0  }
0x9e: {  	[sflag:s21] =	ssyncadd.s32 $0xFFFF0000  }
0x9f: {  	_ =	swait.ge [sflag:s21], $0x10000  }
0xa0: {  	[sflag:s21] =	ssyncset.done $0x0  }
0xa1: {  	[sflag:s21] =	ssyncadd.s32 $0xFFFF0000  }
0xa2: {  	_ =	swait.ge [sflag:s21], $0x10000  }
0xa3: {  	[sflag:s21] =	ssyncset.done $0x0  }
0xa4: {  	[sflag:s21] =	ssyncadd.s32 $0xFFFF0000  }
0xa5: {  	_ =	swait.ge [sflag:s21], $0x10000  }
0xa6: {  	s24 =	simm.s32 @!p1 $0x0;
	[sflag:s21] =	ssyncset.done $0x0  }
0xa7: {  	s25 =	simm.s32 @!p1 $0x10000;
	s26 =	simm.s32 @!p1 $0x2;
	[sflag:s21] =	ssyncadd.s32 $0xFFFF0000  }
0xa8: {  	[tilespmem:s25], [sflag:$0x2] =	stream.linear.gather @!p1 [hbm4b:s12+s24], $0x200, $0x38;
	[tilespmem:$0x10200] =	vst v63  }
0xa9: {  	_ =	swait.ge @!p1 [sflag:s26], $0x200  }
0xaa: {  	[sflag:s26] =	ssyncset.done @!p1 $0x0  }
.Ltmp4:
0xab: {  	[sflag:s26] =	ssyncadd.s32 @!p1 $0xFFFFFE00;
	(pc) =	sbr.rel .LBB2_6-.Ltmp4, $4  }
0xac: {  	[hbm4b:s11+s24] =	stream.linear.scatter @!p1 [tilespmem:s25], [sflag:$0x2], $0x200, $0x38;
	[tilespmem:$0x10200] =	vst v63  }
0xad: {  	_ =	swait.ge @!p1 [sflag:s26], $0x200  }
0xae: {  	[sflag:s26] =	ssyncset.done @!p1 $0x0  }
0xaf: {  	[sflag:s26] =	ssyncadd.s32 @!p1 $0xFFFFFE00  }
.LBB2_7:
0xb0: {  	_ =	sfence.sel $0x180000  }
0xb1: {  	[bflag:$0x0] =	sbarrier.arrive $0xFFFF  }
0xb2: {  	p0 =	sne.s32 s0, $0x0;
	_ =	strace $0x90000047  }
0xb3: {  	s0 =	sadd.s32 @!p0 $0x100000, s1;
	[bflag:$0x2] =	sbarrier.arrive $0xFFFF  }
0xb4: {  	[sflag:s0] =	ssyncadd.tile.s32 @!p0 $0x1;
	_ =	shalt  }
.Lfunc_end2:
_tile_overlayer_lowered:
.L_overlay_start_2:
0xb5: {  	(tag) =	ssettag $0x2  }
0xb6: {  	s0 =	rddreg [dreg:$0x0];
	s2 =	stileid.u32  }
0xb7: {  	s1 =	rddreg [dreg:$0x1];
	p0 =	sne.s32 s2, $0x0  }
0xb8: {  	s3 =	rddreg [dreg:$0x2];
	[bflag:$0x3] =	sbarrier.arrive $0xFFFF;
	s2 =	simm.s32 @!p0 $0x1C02  }
0xb9: {  	[timem:s3], [sflag:s2] =	dma.local @!p0 [hbm:s0], s1  }
0xba: {  	s0 =	simm.s32 @!p0 $0x2  }
0xbb: {  	_ =	swait.ge @!p0 [sflag:s0], s1  }
0xbc: {  	s1 =	ssub.s32 @!p0 $0x0, s1;
	[sflag:s0] =	ssyncset.done @!p0 $0x0  }
0xbd: {  	[sflag:s0] =	ssyncadd.s32 @!p0 s1  }
0xbe: {  	[bflag:$0x3] =	sbarrier.arrive $0xFFFF  }
0xbf: {  	_ =	shalt  }

</sc_bundles>
